<compile_context>
chip_gen: v7x
topology: tpu7x:2x2x1
jax: 0.10.2.dev20260603
libtpu: 0.0.44.dev20260713+nightly
codegen_flags: <defaults>
</compile_context>

<pallas_src>
import functools

import jax
import jax.numpy as jnp
from jax import lax
from jax.experimental import pallas as pl
from jax.experimental.pallas import tpu as pltpu
from jax.experimental.pallas import tpu_sc as plsc

_N = 200000
_NP = 200064
_NW = 32
_WT = 49
_PTS = _WT * 128
_H1 = 3200
_H2 = 3072
_G1 = _H1 // 16
_G = _PTS // 16
_LAST_START = 1514

_GRID_X = 432
_GRID_Y = 496
_GRID_Z = 1


def _bucketize(px, py, pz):
    cx = (px * jnp.float32(6.25)).astype(jnp.int32)
    cy = ((py - jnp.float32(-39.68)) * jnp.float32(6.25)).astype(jnp.int32)
    cz = ((pz - jnp.float32(-3.0)) * jnp.float32(0.25)).astype(jnp.int32)
    ok_x = plsc.bitcast(cx, jnp.uint32) < jnp.uint32(_GRID_X)
    ok_y = plsc.bitcast(cy, jnp.uint32) < jnp.uint32(_GRID_Y)
    ok_z = plsc.bitcast(cz, jnp.uint32) < jnp.uint32(_GRID_Z)
    valid = ok_x & ok_y & ok_z
    neg1 = jnp.int32(-1)
    return (jnp.where(valid, cx, neg1),
            jnp.where(valid, cy, neg1),
            jnp.where(valid, cz, neg1))


_mesh = plsc.VectorSubcoreMesh(core_axis_name="c", subcore_axis_name="s")


@functools.partial(
    pl.kernel,
    mesh=_mesh,
    compiler_params=pltpu.CompilerParams(needs_layout_passes=False),
    out_type=jax.ShapeDtypeStruct((3, _NP), jnp.int32),
    scratch_types=[
        pltpu.VMEM((4, _PTS), jnp.float32),
        pltpu.VMEM((3, _PTS), jnp.int32),
        pltpu.SemaphoreType.DMA,
        pltpu.SemaphoreType.DMA,
        pltpu.SemaphoreType.DMA,
    ],
)
def _voxelize(pts_hbm, out_hbm, pts_v, ob_v, si0, si1, so):
    wid = lax.axis_index("s") * 2 + lax.axis_index("c")
    col0 = jnp.where(wid < 27, wid * _WT,
                     _LAST_START - _WT * (31 - wid)) * 128
    cin0 = pltpu.async_copy(
        pts_hbm.at[:, pl.ds(col0, _H1)],
        pts_v.at[:, pl.ds(0, _H1)], si0)
    cin1 = pltpu.async_copy(
        pts_hbm.at[:, pl.ds(col0 + _H1, _H2)],
        pts_v.at[:, pl.ds(_H1, _H2)], si1)

    def body(i):
        o = i * 16
        px = pts_v[0, pl.ds(o, 16)]
        py = pts_v[1, pl.ds(o, 16)]
        pz = pts_v[2, pl.ds(o, 16)]
        ox, oy, oz = _bucketize(px, py, pz)
        ob_v[0, pl.ds(o, 16)] = ox
        ob_v[1, pl.ds(o, 16)] = oy
        ob_v[2, pl.ds(o, 16)] = oz

    def flush(lo, n):
        return pltpu.async_copy(
            ob_v.at[:, pl.ds(lo, n)],
            out_hbm.at[:, pl.ds(col0 + lo, n)], so)

    cin0.wait()
    plsc.parallel_loop(0, _G1, unroll=4)(body)
    h1 = flush(0, _H1)
    cin1.wait()
    plsc.parallel_loop(_G1, _G, unroll=4)(body)
    h2 = flush(_H1, _H2)
    h1.wait()
    h2.wait()


def kernel(points):
    pts_t = jnp.pad(points.T, ((0, 0), (0, _NP - _N)))
    return _voxelize(pts_t)[:, :_N]

# --- scband reference (transcript-rebuilt; emitter-appended) ---
"""Pipeline reference for scband-voxelization-59820304498936 (READ-ONLY COPY).

The authoritative reference and input builder live on the scoring server;
editing this copy changes nothing except your own understanding.
"""

import jax, jax.numpy as jnp
import numpy as np

VOXEL_SIZE = (0.16, 0.16, 4.0)
PC_RANGE = (0.0, -39.68, -3.0, 69.12, 39.68, 1.0)
N_POINTS = 200000


def setup_inputs(seed: int = 0) -> dict:
    key = jax.random.key(seed)
    u = jax.random.uniform(key, (N_POINTS, 4), dtype=jnp.float32)
    # scale points into the point-cloud range (x,y,z) and [0,1] intensity
    mins = jnp.array([PC_RANGE[0], PC_RANGE[1], PC_RANGE[2], 0.0], dtype=jnp.float32)
    maxs = jnp.array([PC_RANGE[3], PC_RANGE[4], PC_RANGE[5], 1.0], dtype=jnp.float32)
    points = mins + u * (maxs - mins)
    return {"points": points}


def reference(points):
    # dynamic voxelization: per-point integer voxel coordinate, -1 if out of range
    vx, vy, vz = VOXEL_SIZE
    x0, y0, z0, x1, y1, z1 = PC_RANGE
    grid_x = int(round((x1 - x0) / vx))
    grid_y = int(round((y1 - y0) / vy))
    grid_z = int(round((z1 - z0) / vz))
    mins = jnp.array([x0, y0, z0], dtype=jnp.float32)
    vs = jnp.array([vx, vy, vz], dtype=jnp.float32)
    grid = jnp.array([grid_x, grid_y, grid_z], dtype=jnp.int32)
    c = jnp.floor((points[:, :3] - mins) / vs).astype(jnp.int32)  # [N, 3]
    valid = jnp.all((c >= 0) & (c < grid[None, :]), axis=1)  # [N]
    coors = jnp.where(valid[None, :], c.T, jnp.int32(-1))  # [3, N]
    return coors

if __name__ == "__main__":
    import jax
    _d = setup_inputs()
    print(jax.jit(kernel)(*tuple(_d.values())))

</pallas_src>

<mosaic_0001>
#map = affine_map<(d0, d1) -> (0, 0)>
module attributes {stable_mosaic.version = 14 : i64} {
  func.func @_voxelize(%arg0: i32, %arg1: i32, %arg2: memref<4x200064xf32, #tpu.memory_space<hbm>>, %arg3: memref<3x200064xi32, #tpu.memory_space<hbm>>, %arg4: memref<4x6272xf32, #tpu.memory_space<vmem>>, %arg5: memref<3x6272xi32, #tpu.memory_space<vmem>>, %arg6: memref<!tpu.dma_semaphore, #tpu.memory_space<semaphore_mem>>, %arg7: memref<!tpu.dma_semaphore, #tpu.memory_space<semaphore_mem>>, %arg8: memref<!tpu.dma_semaphore, #tpu.memory_space<semaphore_mem>>) attributes {dimension_semantics = [#tpu.dimension_semantics<core_parallel>, #tpu.dimension_semantics<subcore_parallel>], iteration_bounds = array<i64: 2, 16>, scalar_prefetch = 0 : i64, scratch_operands = 5 : i64, tpu.core_type = #tpu.core_type<sc_vector_subcore>, window_params = [{transform_indices = #map}, {transform_indices = #map}]} {
    %mul3A = arith.constant 2 : i32
    %mul3A_0 = arith.muli %arg1, %mul3A : i32
    %add3A = arith.addi %mul3A_0, %arg0 : i32
    %lt3A = arith.constant 27 : i32
    %lt3A_1 = arith.cmpi slt, %add3A, %lt3A : i32
    %mul3A_2 = arith.constant 49 : i32
    %mul3A_3 = arith.muli %add3A, %mul3A_2 : i32
    %sub3A = arith.constant 31 : i32
    %sub3A_4 = arith.subi %sub3A, %add3A : i32
    %mul3A_5 = arith.constant 49 : i32
    %mul3A_6 = arith.muli %mul3A_5, %sub3A_4 : i32
    %sub3A_7 = arith.constant 1514 : i32
    %sub3A_8 = arith.subi %sub3A_7, %mul3A_6 : i32
    %select_n3A = arith.select %lt3A_1, %mul3A_3, %sub3A_8 : i32
    %mul3A_9 = arith.constant 128 : i32
    %mul3A_10 = arith.muli %select_n3A, %mul3A_9 : i32
    %dma_start3A = arith.constant 0 : i32
    %dma_start3A_11 = arith.constant 0 : i32
    %dma_start3A_12 = tpu.memref_slice %arg4[%dma_start3A, %dma_start3A_11] : memref<4x6272xf32, #tpu.memory_space<vmem>> -> memref<4x3200xf32, #tpu.memory_space<vmem>>
    %dma_start3A_13 = arith.constant 0 : i32
    %dma_start3A_14 = tpu.memref_slice %arg2[%dma_start3A_13, %mul3A_10] : memref<4x200064xf32, #tpu.memory_space<hbm>> -> memref<4x3200xf32, #tpu.memory_space<hbm>>
    %dma_start3A_15 = arith.constant 0 : i32
    %dma_start3A_16 = arith.constant 0 : i32
    %dma_start3A_17 = tpu.memref_slice %arg4[%dma_start3A_15, %dma_start3A_16] : memref<4x6272xf32, #tpu.memory_space<vmem>> -> memref<4x3200xf32, #tpu.memory_space<vmem>>
    %dma_start3A_18 = arith.constant 0 : i32
    %dma_start3A_19 = tpu.memref_slice %arg2[%dma_start3A_18, %mul3A_10] : memref<4x200064xf32, #tpu.memory_space<hbm>> -> memref<4x3200xf32, #tpu.memory_space<hbm>>
    tpu.enqueue_dma source(%dma_start3A_19 : memref<4x3200xf32, #tpu.memory_space<hbm>>) target(%dma_start3A_17 : memref<4x3200xf32, #tpu.memory_space<vmem>>) target_semaphore(%arg6 : memref<!tpu.dma_semaphore, #tpu.memory_space<semaphore_mem>>)
    %add3A_20 = arith.constant 3200 : i32
    %add3A_21 = arith.addi %mul3A_10, %add3A_20 : i32
    %dma_start3A_22 = arith.constant 0 : i32
    %dma_start3A_23 = arith.constant 3200 : i32
    %dma_start3A_24 = tpu.memref_slice %arg4[%dma_start3A_22, %dma_start3A_23] : memref<4x6272xf32, #tpu.memory_space<vmem>> -> memref<4x3072xf32, #tpu.memory_space<vmem>>
    %dma_start3A_25 = arith.constant 0 : i32
    %dma_start3A_26 = tpu.memref_slice %arg2[%dma_start3A_25, %add3A_21] : memref<4x200064xf32, #tpu.memory_space<hbm>> -> memref<4x3072xf32, #tpu.memory_space<hbm>>
    %dma_start3A_27 = arith.constant 0 : i32
    %dma_start3A_28 = arith.constant 3200 : i32
    %dma_start3A_29 = tpu.memref_slice %arg4[%dma_start3A_27, %dma_start3A_28] : memref<4x6272xf32, #tpu.memory_space<vmem>> -> memref<4x3072xf32, #tpu.memory_space<vmem>>
    %dma_start3A_30 = arith.constant 0 : i32
    %dma_start3A_31 = tpu.memref_slice %arg2[%dma_start3A_30, %add3A_21] : memref<4x200064xf32, #tpu.memory_space<hbm>> -> memref<4x3072xf32, #tpu.memory_space<hbm>>
    tpu.enqueue_dma source(%dma_start3A_31 : memref<4x3072xf32, #tpu.memory_space<hbm>>) target(%dma_start3A_29 : memref<4x3072xf32, #tpu.memory_space<vmem>>) target_semaphore(%arg7 : memref<!tpu.dma_semaphore, #tpu.memory_space<semaphore_mem>>)
    %dma_wait3A = arith.constant 0 : i32
    %dma_wait3A_32 = arith.constant 0 : i32
    %dma_wait3A_33 = tpu.memref_slice %arg4[%dma_wait3A, %dma_wait3A_32] : memref<4x6272xf32, #tpu.memory_space<vmem>> -> memref<4x3200xf32, #tpu.memory_space<vmem>>
    %dma_wait3A_34 = arith.constant 0 : i32
    %dma_wait3A_35 = tpu.memref_slice %arg2[%dma_wait3A_34, %mul3A_10] : memref<4x200064xf32, #tpu.memory_space<hbm>> -> memref<4x3200xf32, #tpu.memory_space<hbm>>
    %dma_wait3A_36 = arith.constant 0 : i32
    %dma_wait3A_37 = arith.constant 0 : i32
    %dma_wait3A_38 = tpu.memref_slice %arg4[%dma_wait3A_36, %dma_wait3A_37] : memref<4x6272xf32, #tpu.memory_space<vmem>> -> memref<4x3200xf32, #tpu.memory_space<vmem>>
    %dma_wait3A_39 = arith.constant 0 : i32
    %dma_wait3A_40 = tpu.memref_slice %arg2[%dma_wait3A_39, %mul3A_10] : memref<4x200064xf32, #tpu.memory_space<hbm>> -> memref<4x3200xf32, #tpu.memory_space<hbm>>
    tpu.wait_dma2 semaphore(%arg6 : memref<!tpu.dma_semaphore, #tpu.memory_space<semaphore_mem>>) src(%dma_wait3A_40 : memref<4x3200xf32, #tpu.memory_space<hbm>>) dst(%dma_wait3A_38 : memref<4x3200xf32, #tpu.memory_space<vmem>>)
    %parallel_loop3A = arith.constant 0 : i32
    %parallel_loop3A_41 = arith.constant 200 : i32
    %parallel_loop3A_42 = arith.constant 1 : i32
    scf.for %parallel_loop3A_100 = %parallel_loop3A to %parallel_loop3A_41 step %parallel_loop3A_42  : i32 {
      %parallel_loop3A_101 = arith.constant 16 : i32
      %parallel_loop3A_102 = arith.muli %parallel_loop3A_100, %parallel_loop3A_101 : i32
      %parallel_loop3A_103 = arith.constant 0 : i32
      %parallel_loop3A_104 = arith.index_cast %parallel_loop3A_103 : i32 to index
      %parallel_loop3A_105 = arith.index_cast %parallel_loop3A_102 : i32 to index
      %parallel_loop3A_106 = tpu.vector_load %arg4[%parallel_loop3A_104, %parallel_loop3A_105] {strides = array<i32>} : memref<4x6272xf32, #tpu.memory_space<vmem>>, vector<16xf32>,
      %parallel_loop3A_107 = arith.constant 1 : i32
      %parallel_loop3A_108 = arith.index_cast %parallel_loop3A_107 : i32 to index
      %parallel_loop3A_109 = arith.index_cast %parallel_loop3A_102 : i32 to index
      %parallel_loop3A_110 = tpu.vector_load %arg4[%parallel_loop3A_108, %parallel_loop3A_109] {strides = array<i32>} : memref<4x6272xf32, #tpu.memory_space<vmem>>, vector<16xf32>,
      %parallel_loop3A_111 = arith.constant 2 : i32
      %parallel_loop3A_112 = arith.index_cast %parallel_loop3A_111 : i32 to index
      %parallel_loop3A_113 = arith.index_cast %parallel_loop3A_102 : i32 to index
      %parallel_loop3A_114 = tpu.vector_load %arg4[%parallel_loop3A_112, %parallel_loop3A_113] {strides = array<i32>} : memref<4x6272xf32, #tpu.memory_space<vmem>>, vector<16xf32>,
      %parallel_loop3A_115 = arith.constant 6.250000e+00 : f32
      %parallel_loop3A_116 = vector.broadcast %parallel_loop3A_115 : f32 to vector<16xf32>
      %parallel_loop3A_117 = arith.mulf %parallel_loop3A_106, %parallel_loop3A_116 : vector<16xf32>
      %parallel_loop3A_118 = arith.fptosi %parallel_loop3A_117 : vector<16xf32> to vector<16xi32>
      %parallel_loop3A_119 = arith.constant -3.968000e+01 : f32
      %parallel_loop3A_120 = vector.broadcast %parallel_loop3A_119 : f32 to vector<16xf32>
      %parallel_loop3A_121 = arith.subf %parallel_loop3A_110, %parallel_loop3A_120 : vector<16xf32>
      %parallel_loop3A_122 = arith.constant 6.250000e+00 : f32
      %parallel_loop3A_123 = vector.broadcast %parallel_loop3A_122 : f32 to vector<16xf32>
      %parallel_loop3A_124 = arith.mulf %parallel_loop3A_121, %parallel_loop3A_123 : vector<16xf32>
      %parallel_loop3A_125 = arith.fptosi %parallel_loop3A_124 : vector<16xf32> to vector<16xi32>
      %parallel_loop3A_126 = arith.constant -3.000000e+00 : f32
      %parallel_loop3A_127 = vector.broadcast %parallel_loop3A_126 : f32 to vector<16xf32>
      %parallel_loop3A_128 = arith.subf %parallel_loop3A_114, %parallel_loop3A_127 : vector<16xf32>
      %parallel_loop3A_129 = arith.constant 2.500000e-01 : f32
      %parallel_loop3A_130 = vector.broadcast %parallel_loop3A_129 : f32 to vector<16xf32>
      %parallel_loop3A_131 = arith.mulf %parallel_loop3A_128, %parallel_loop3A_130 : vector<16xf32>
      %parallel_loop3A_132 = arith.fptosi %parallel_loop3A_131 : vector<16xf32> to vector<16xi32>
      %parallel_loop3A_133 = vector.bitcast %parallel_loop3A_118 : vector<16xi32> to vector<16xi32>
      %parallel_loop3A_134 = arith.constant 432 : i32
      %parallel_loop3A_135 = vector.broadcast %parallel_loop3A_134 : i32 to vector<16xi32>
      %parallel_loop3A_136 = arith.cmpi ult, %parallel_loop3A_133, %parallel_loop3A_135 : vector<16xi32>
      %parallel_loop3A_137 = vector.bitcast %parallel_loop3A_125 : vector<16xi32> to vector<16xi32>
      %parallel_loop3A_138 = arith.constant 496 : i32
      %parallel_loop3A_139 = vector.broadcast %parallel_loop3A_138 : i32 to vector<16xi32>
      %parallel_loop3A_140 = arith.cmpi ult, %parallel_loop3A_137, %parallel_loop3A_139 : vector<16xi32>
      %parallel_loop3A_141 = vector.bitcast %parallel_loop3A_132 : vector<16xi32> to vector<16xi32>
      %parallel_loop3A_142 = arith.constant 1 : i32
      %parallel_loop3A_143 = vector.broadcast %parallel_loop3A_142 : i32 to vector<16xi32>
      %parallel_loop3A_144 = arith.cmpi ult, %parallel_loop3A_141, %parallel_loop3A_143 : vector<16xi32>
      %parallel_loop3A_145 = arith.andi %parallel_loop3A_136, %parallel_loop3A_140 : vector<16xi1>
      %parallel_loop3A_146 = arith.andi %parallel_loop3A_145, %parallel_loop3A_144 : vector<16xi1>
      %parallel_loop3A_147 = arith.constant -1 : i32
      %parallel_loop3A_148 = vector.broadcast %parallel_loop3A_147 : i32 to vector<16xi32>
      %parallel_loop3A_149 = arith.select %parallel_loop3A_146, %parallel_loop3A_118, %parallel_loop3A_148 : vector<16xi1>, vector<16xi32>
      %parallel_loop3A_150 = arith.constant -1 : i32
      %parallel_loop3A_151 = vector.broadcast %parallel_loop3A_150 : i32 to vector<16xi32>
      %parallel_loop3A_152 = arith.select %parallel_loop3A_146, %parallel_loop3A_125, %parallel_loop3A_151 : vector<16xi1>, vector<16xi32>
      %parallel_loop3A_153 = arith.constant -1 : i32
      %parallel_loop3A_154 = vector.broadcast %parallel_loop3A_153 : i32 to vector<16xi32>
      %parallel_loop3A_155 = arith.select %parallel_loop3A_146, %parallel_loop3A_132, %parallel_loop3A_154 : vector<16xi1>, vector<16xi32>
      %parallel_loop3A_156 = arith.constant 0 : i32
      %parallel_loop3A_157 = arith.index_cast %parallel_loop3A_156 : i32 to index
      %parallel_loop3A_158 = arith.index_cast %parallel_loop3A_102 : i32 to index
      %parallel_loop3A_159 = tpu.vector_load %arg5[%parallel_loop3A_157, %parallel_loop3A_158] {strides = array<i32>} : memref<3x6272xi32, #tpu.memory_space<vmem>>, vector<16xi32>,
      tpu.vector_store %arg5[%parallel_loop3A_157, %parallel_loop3A_158], %parallel_loop3A_149 {strides = array<i32>} : memref<3x6272xi32, #tpu.memory_space<vmem>>, vector<16xi32>,
      %parallel_loop3A_160 = arith.constant 1 : i32
      %parallel_loop3A_161 = arith.index_cast %parallel_loop3A_160 : i32 to index
      %parallel_loop3A_162 = arith.index_cast %parallel_loop3A_102 : i32 to index
      %parallel_loop3A_163 = tpu.vector_load %arg5[%parallel_loop3A_161, %parallel_loop3A_162] {strides = array<i32>} : memref<3x6272xi32, #tpu.memory_space<vmem>>, vector<16xi32>,
      tpu.vector_store %arg5[%parallel_loop3A_161, %parallel_loop3A_162], %parallel_loop3A_152 {strides = array<i32>} : memref<3x6272xi32, #tpu.memory_space<vmem>>, vector<16xi32>,
      %parallel_loop3A_164 = arith.constant 2 : i32
      %parallel_loop3A_165 = arith.index_cast %parallel_loop3A_164 : i32 to index
      %parallel_loop3A_166 = arith.index_cast %parallel_loop3A_102 : i32 to index
      %parallel_loop3A_167 = tpu.vector_load %arg5[%parallel_loop3A_165, %parallel_loop3A_166] {strides = array<i32>} : memref<3x6272xi32, #tpu.memory_space<vmem>>, vector<16xi32>,
      tpu.vector_store %arg5[%parallel_loop3A_165, %parallel_loop3A_166], %parallel_loop3A_155 {strides = array<i32>} : memref<3x6272xi32, #tpu.memory_space<vmem>>, vector<16xi32>,
    } {sc.loop_unroll_factor = 4 : i64, sc.parallel_access}
    %add3A_43 = arith.constant 0 : i32
    %add3A_44 = arith.addi %mul3A_10, %add3A_43 : i32
    %dma_start3A_45 = arith.constant 0 : i32
    %dma_start3A_46 = arith.constant 0 : i32
    %dma_start3A_47 = tpu.memref_slice %arg5[%dma_start3A_45, %dma_start3A_46] : memref<3x6272xi32, #tpu.memory_space<vmem>> -> memref<3x3200xi32, #tpu.memory_space<vmem>>
    %dma_start3A_48 = arith.constant 0 : i32
    %dma_start3A_49 = tpu.memref_slice %arg3[%dma_start3A_48, %add3A_44] : memref<3x200064xi32, #tpu.memory_space<hbm>> -> memref<3x3200xi32, #tpu.memory_space<hbm>>
    %dma_start3A_50 = arith.constant 0 : i32
    %dma_start3A_51 = tpu.memref_slice %arg3[%dma_start3A_50, %add3A_44] : memref<3x200064xi32, #tpu.memory_space<hbm>> -> memref<3x3200xi32, #tpu.memory_space<hbm>>
    %dma_start3A_52 = arith.constant 0 : i32
    %dma_start3A_53 = arith.constant 0 : i32
    %dma_start3A_54 = tpu.memref_slice %arg5[%dma_start3A_52, %dma_start3A_53] : memref<3x6272xi32, #tpu.memory_space<vmem>> -> memref<3x3200xi32, #tpu.memory_space<vmem>>
    tpu.enqueue_dma source(%dma_start3A_54 : memref<3x3200xi32, #tpu.memory_space<vmem>>) target(%dma_start3A_51 : memref<3x3200xi32, #tpu.memory_space<hbm>>) target_semaphore(%arg8 : memref<!tpu.dma_semaphore, #tpu.memory_space<semaphore_mem>>)
    %dma_wait3A_55 = arith.constant 0 : i32
    %dma_wait3A_56 = arith.constant 3200 : i32
    %dma_wait3A_57 = tpu.memref_slice %arg4[%dma_wait3A_55, %dma_wait3A_56] : memref<4x6272xf32, #tpu.memory_space<vmem>> -> memref<4x3072xf32, #tpu.memory_space<vmem>>
    %dma_wait3A_58 = arith.constant 0 : i32
    %dma_wait3A_59 = tpu.memref_slice %arg2[%dma_wait3A_58, %add3A_21] : memref<4x200064xf32, #tpu.memory_space<hbm>> -> memref<4x3072xf32, #tpu.memory_space<hbm>>
    %dma_wait3A_60 = arith.constant 0 : i32
    %dma_wait3A_61 = arith.constant 3200 : i32
    %dma_wait3A_62 = tpu.memref_slice %arg4[%dma_wait3A_60, %dma_wait3A_61] : memref<4x6272xf32, #tpu.memory_space<vmem>> -> memref<4x3072xf32, #tpu.memory_space<vmem>>
    %dma_wait3A_63 = arith.constant 0 : i32
    %dma_wait3A_64 = tpu.memref_slice %arg2[%dma_wait3A_63, %add3A_21] : memref<4x200064xf32, #tpu.memory_space<hbm>> -> memref<4x3072xf32, #tpu.memory_space<hbm>>
    tpu.wait_dma2 semaphore(%arg7 : memref<!tpu.dma_semaphore, #tpu.memory_space<semaphore_mem>>) src(%dma_wait3A_64 : memref<4x3072xf32, #tpu.memory_space<hbm>>) dst(%dma_wait3A_62 : memref<4x3072xf32, #tpu.memory_space<vmem>>)
    %parallel_loop3A_65 = arith.constant 200 : i32
    %parallel_loop3A_66 = arith.constant 392 : i32
    %parallel_loop3A_67 = arith.constant 1 : i32
    scf.for %parallel_loop3A_100 = %parallel_loop3A_65 to %parallel_loop3A_66 step %parallel_loop3A_67  : i32 {
      %parallel_loop3A_101 = arith.constant 16 : i32
      %parallel_loop3A_102 = arith.muli %parallel_loop3A_100, %parallel_loop3A_101 : i32
      %parallel_loop3A_103 = arith.constant 0 : i32
      %parallel_loop3A_104 = arith.index_cast %parallel_loop3A_103 : i32 to index
      %parallel_loop3A_105 = arith.index_cast %parallel_loop3A_102 : i32 to index
      %parallel_loop3A_106 = tpu.vector_load %arg4[%parallel_loop3A_104, %parallel_loop3A_105] {strides = array<i32>} : memref<4x6272xf32, #tpu.memory_space<vmem>>, vector<16xf32>,
      %parallel_loop3A_107 = arith.constant 1 : i32
      %parallel_loop3A_108 = arith.index_cast %parallel_loop3A_107 : i32 to index
      %parallel_loop3A_109 = arith.index_cast %parallel_loop3A_102 : i32 to index
      %parallel_loop3A_110 = tpu.vector_load %arg4[%parallel_loop3A_108, %parallel_loop3A_109] {strides = array<i32>} : memref<4x6272xf32, #tpu.memory_space<vmem>>, vector<16xf32>,
      %parallel_loop3A_111 = arith.constant 2 : i32
      %parallel_loop3A_112 = arith.index_cast %parallel_loop3A_111 : i32 to index
      %parallel_loop3A_113 = arith.index_cast %parallel_loop3A_102 : i32 to index
      %parallel_loop3A_114 = tpu.vector_load %arg4[%parallel_loop3A_112, %parallel_loop3A_113] {strides = array<i32>} : memref<4x6272xf32, #tpu.memory_space<vmem>>, vector<16xf32>,
      %parallel_loop3A_115 = arith.constant 6.250000e+00 : f32
      %parallel_loop3A_116 = vector.broadcast %parallel_loop3A_115 : f32 to vector<16xf32>
      %parallel_loop3A_117 = arith.mulf %parallel_loop3A_106, %parallel_loop3A_116 : vector<16xf32>
      %parallel_loop3A_118 = arith.fptosi %parallel_loop3A_117 : vector<16xf32> to vector<16xi32>
      %parallel_loop3A_119 = arith.constant -3.968000e+01 : f32
      %parallel_loop3A_120 = vector.broadcast %parallel_loop3A_119 : f32 to vector<16xf32>
      %parallel_loop3A_121 = arith.subf %parallel_loop3A_110, %parallel_loop3A_120 : vector<16xf32>
      %parallel_loop3A_122 = arith.constant 6.250000e+00 : f32
      %parallel_loop3A_123 = vector.broadcast %parallel_loop3A_122 : f32 to vector<16xf32>
      %parallel_loop3A_124 = arith.mulf %parallel_loop3A_121, %parallel_loop3A_123 : vector<16xf32>
      %parallel_loop3A_125 = arith.fptosi %parallel_loop3A_124 : vector<16xf32> to vector<16xi32>
      %parallel_loop3A_126 = arith.constant -3.000000e+00 : f32
      %parallel_loop3A_127 = vector.broadcast %parallel_loop3A_126 : f32 to vector<16xf32>
      %parallel_loop3A_128 = arith.subf %parallel_loop3A_114, %parallel_loop3A_127 : vector<16xf32>
      %parallel_loop3A_129 = arith.constant 2.500000e-01 : f32
      %parallel_loop3A_130 = vector.broadcast %parallel_loop3A_129 : f32 to vector<16xf32>
      %parallel_loop3A_131 = arith.mulf %parallel_loop3A_128, %parallel_loop3A_130 : vector<16xf32>
      %parallel_loop3A_132 = arith.fptosi %parallel_loop3A_131 : vector<16xf32> to vector<16xi32>
      %parallel_loop3A_133 = vector.bitcast %parallel_loop3A_118 : vector<16xi32> to vector<16xi32>
      %parallel_loop3A_134 = arith.constant 432 : i32
      %parallel_loop3A_135 = vector.broadcast %parallel_loop3A_134 : i32 to vector<16xi32>
      %parallel_loop3A_136 = arith.cmpi ult, %parallel_loop3A_133, %parallel_loop3A_135 : vector<16xi32>
      %parallel_loop3A_137 = vector.bitcast %parallel_loop3A_125 : vector<16xi32> to vector<16xi32>
      %parallel_loop3A_138 = arith.constant 496 : i32
      %parallel_loop3A_139 = vector.broadcast %parallel_loop3A_138 : i32 to vector<16xi32>
      %parallel_loop3A_140 = arith.cmpi ult, %parallel_loop3A_137, %parallel_loop3A_139 : vector<16xi32>
      %parallel_loop3A_141 = vector.bitcast %parallel_loop3A_132 : vector<16xi32> to vector<16xi32>
      %parallel_loop3A_142 = arith.constant 1 : i32
      %parallel_loop3A_143 = vector.broadcast %parallel_loop3A_142 : i32 to vector<16xi32>
      %parallel_loop3A_144 = arith.cmpi ult, %parallel_loop3A_141, %parallel_loop3A_143 : vector<16xi32>
      %parallel_loop3A_145 = arith.andi %parallel_loop3A_136, %parallel_loop3A_140 : vector<16xi1>
      %parallel_loop3A_146 = arith.andi %parallel_loop3A_145, %parallel_loop3A_144 : vector<16xi1>
      %parallel_loop3A_147 = arith.constant -1 : i32
      %parallel_loop3A_148 = vector.broadcast %parallel_loop3A_147 : i32 to vector<16xi32>
      %parallel_loop3A_149 = arith.select %parallel_loop3A_146, %parallel_loop3A_118, %parallel_loop3A_148 : vector<16xi1>, vector<16xi32>
      %parallel_loop3A_150 = arith.constant -1 : i32
      %parallel_loop3A_151 = vector.broadcast %parallel_loop3A_150 : i32 to vector<16xi32>
      %parallel_loop3A_152 = arith.select %parallel_loop3A_146, %parallel_loop3A_125, %parallel_loop3A_151 : vector<16xi1>, vector<16xi32>
      %parallel_loop3A_153 = arith.constant -1 : i32
      %parallel_loop3A_154 = vector.broadcast %parallel_loop3A_153 : i32 to vector<16xi32>
      %parallel_loop3A_155 = arith.select %parallel_loop3A_146, %parallel_loop3A_132, %parallel_loop3A_154 : vector<16xi1>, vector<16xi32>
      %parallel_loop3A_156 = arith.constant 0 : i32
      %parallel_loop3A_157 = arith.index_cast %parallel_loop3A_156 : i32 to index
      %parallel_loop3A_158 = arith.index_cast %parallel_loop3A_102 : i32 to index
      %parallel_loop3A_159 = tpu.vector_load %arg5[%parallel_loop3A_157, %parallel_loop3A_158] {strides = array<i32>} : memref<3x6272xi32, #tpu.memory_space<vmem>>, vector<16xi32>,
      tpu.vector_store %arg5[%parallel_loop3A_157, %parallel_loop3A_158], %parallel_loop3A_149 {strides = array<i32>} : memref<3x6272xi32, #tpu.memory_space<vmem>>, vector<16xi32>,
      %parallel_loop3A_160 = arith.constant 1 : i32
      %parallel_loop3A_161 = arith.index_cast %parallel_loop3A_160 : i32 to index
      %parallel_loop3A_162 = arith.index_cast %parallel_loop3A_102 : i32 to index
      %parallel_loop3A_163 = tpu.vector_load %arg5[%parallel_loop3A_161, %parallel_loop3A_162] {strides = array<i32>} : memref<3x6272xi32, #tpu.memory_space<vmem>>, vector<16xi32>,
      tpu.vector_store %arg5[%parallel_loop3A_161, %parallel_loop3A_162], %parallel_loop3A_152 {strides = array<i32>} : memref<3x6272xi32, #tpu.memory_space<vmem>>, vector<16xi32>,
      %parallel_loop3A_164 = arith.constant 2 : i32
      %parallel_loop3A_165 = arith.index_cast %parallel_loop3A_164 : i32 to index
      %parallel_loop3A_166 = arith.index_cast %parallel_loop3A_102 : i32 to index
      %parallel_loop3A_167 = tpu.vector_load %arg5[%parallel_loop3A_165, %parallel_loop3A_166] {strides = array<i32>} : memref<3x6272xi32, #tpu.memory_space<vmem>>, vector<16xi32>,
      tpu.vector_store %arg5[%parallel_loop3A_165, %parallel_loop3A_166], %parallel_loop3A_155 {strides = array<i32>} : memref<3x6272xi32, #tpu.memory_space<vmem>>, vector<16xi32>,
    } {sc.loop_unroll_factor = 4 : i64, sc.parallel_access}
    %add3A_68 = arith.constant 3200 : i32
    %add3A_69 = arith.addi %mul3A_10, %add3A_68 : i32
    %dma_start3A_70 = arith.constant 0 : i32
    %dma_start3A_71 = arith.constant 3200 : i32
    %dma_start3A_72 = tpu.memref_slice %arg5[%dma_start3A_70, %dma_start3A_71] : memref<3x6272xi32, #tpu.memory_space<vmem>> -> memref<3x3072xi32, #tpu.memory_space<vmem>>
    %dma_start3A_73 = arith.constant 0 : i32
    %dma_start3A_74 = tpu.memref_slice %arg3[%dma_start3A_73, %add3A_69] : memref<3x200064xi32, #tpu.memory_space<hbm>> -> memref<3x3072xi32, #tpu.memory_space<hbm>>
    %dma_start3A_75 = arith.constant 0 : i32
    %dma_start3A_76 = tpu.memref_slice %arg3[%dma_start3A_75, %add3A_69] : memref<3x200064xi32, #tpu.memory_space<hbm>> -> memref<3x3072xi32, #tpu.memory_space<hbm>>
    %dma_start3A_77 = arith.constant 0 : i32
    %dma_start3A_78 = arith.constant 3200 : i32
    %dma_start3A_79 = tpu.memref_slice %arg5[%dma_start3A_77, %dma_start3A_78] : memref<3x6272xi32, #tpu.memory_space<vmem>> -> memref<3x3072xi32, #tpu.memory_space<vmem>>
    tpu.enqueue_dma source(%dma_start3A_79 : memref<3x3072xi32, #tpu.memory_space<vmem>>) target(%dma_start3A_76 : memref<3x3072xi32, #tpu.memory_space<hbm>>) target_semaphore(%arg8 : memref<!tpu.dma_semaphore, #tpu.memory_space<semaphore_mem>>)
    %dma_wait3A_80 = arith.constant 0 : i32
    %dma_wait3A_81 = arith.constant 0 : i32
    %dma_wait3A_82 = tpu.memref_slice %arg5[%dma_wait3A_80, %dma_wait3A_81] : memref<3x6272xi32, #tpu.memory_space<vmem>> -> memref<3x3200xi32, #tpu.memory_space<vmem>>
    %dma_wait3A_83 = arith.constant 0 : i32
    %dma_wait3A_84 = tpu.memref_slice %arg3[%dma_wait3A_83, %add3A_44] : memref<3x200064xi32, #tpu.memory_space<hbm>> -> memref<3x3200xi32, #tpu.memory_space<hbm>>
    %dma_wait3A_85 = arith.constant 0 : i32
    %dma_wait3A_86 = tpu.memref_slice %arg3[%dma_wait3A_85, %add3A_44] : memref<3x200064xi32, #tpu.memory_space<hbm>> -> memref<3x3200xi32, #tpu.memory_space<hbm>>
    %dma_wait3A_87 = arith.constant 0 : i32
    %dma_wait3A_88 = arith.constant 0 : i32
    %dma_wait3A_89 = tpu.memref_slice %arg5[%dma_wait3A_87, %dma_wait3A_88] : memref<3x6272xi32, #tpu.memory_space<vmem>> -> memref<3x3200xi32, #tpu.memory_space<vmem>>
    tpu.wait_dma2 semaphore(%arg8 : memref<!tpu.dma_semaphore, #tpu.memory_space<semaphore_mem>>) src(%dma_wait3A_89 : memref<3x3200xi32, #tpu.memory_space<vmem>>) dst(%dma_wait3A_86 : memref<3x3200xi32, #tpu.memory_space<hbm>>)
    %dma_wait3A_90 = arith.constant 0 : i32
    %dma_wait3A_91 = arith.constant 3200 : i32
    %dma_wait3A_92 = tpu.memref_slice %arg5[%dma_wait3A_90, %dma_wait3A_91] : memref<3x6272xi32, #tpu.memory_space<vmem>> -> memref<3x3072xi32, #tpu.memory_space<vmem>>
    %dma_wait3A_93 = arith.constant 0 : i32
    %dma_wait3A_94 = tpu.memref_slice %arg3[%dma_wait3A_93, %add3A_69] : memref<3x200064xi32, #tpu.memory_space<hbm>> -> memref<3x3072xi32, #tpu.memory_space<hbm>>
    %dma_wait3A_95 = arith.constant 0 : i32
    %dma_wait3A_96 = tpu.memref_slice %arg3[%dma_wait3A_95, %add3A_69] : memref<3x200064xi32, #tpu.memory_space<hbm>> -> memref<3x3072xi32, #tpu.memory_space<hbm>>
    %dma_wait3A_97 = arith.constant 0 : i32
    %dma_wait3A_98 = arith.constant 3200 : i32
    %dma_wait3A_99 = tpu.memref_slice %arg5[%dma_wait3A_97, %dma_wait3A_98] : memref<3x6272xi32, #tpu.memory_space<vmem>> -> memref<3x3072xi32, #tpu.memory_space<vmem>>
    tpu.wait_dma2 semaphore(%arg8 : memref<!tpu.dma_semaphore, #tpu.memory_space<semaphore_mem>>) src(%dma_wait3A_99 : memref<3x3072xi32, #tpu.memory_space<vmem>>) dst(%dma_wait3A_96 : memref<3x3072xi32, #tpu.memory_space<hbm>>)
    return
  }
}

</mosaic_0001>

<sc_bundles>
// kernel: kernel.3.cloned.1.call-start
scs
__scs_entry_jumppad:
0x0: {  	(pc) =	sbr.rel $0x88, $3  }
0x1: {  	(tag) =	ssettag $0x0;
	lr =	simm.s32 $0x1  }
0x2: {  	[smem:$0x3FA0] =	sst lr;
	_ =	strace $0xD0000000  }
0x3: {  	_ = 	snop  }
0x4: {  	_ = 	snop  }
0x5: {  	_ = 	snop  }
0x6: {  	_ = 	snop  }
0x7: {  	_ = 	snop  }
__scs_overlays_trampoline_lowered:
0x8: {  	[smem:$0x3FAF] =	sst s0  }
0x9: {  	[smem:$0x3FB0] =	sst s1  }
0xa: {  	[smem:$0x3FB1] =	sst s2  }
0xb: {  	[smem:$0x3FB2] =	sst s3  }
0xc: {  	[smem:$0x3FB3] =	sst s4  }
0xd: {  	[smem:$0x3FB4] =	sst s5  }
0xe: {  	[smem:$0x3FB5] =	sst s6  }
0xf: {  	[smem:$0x3FB6] =	sst s7  }
0x10: {  	[smem:$0x3FB7] =	sst s8  }
0x11: {  	[smem:$0x3FB8] =	sst s9;
	s0 =	simm.s32 @!p0 $0x0  }
0x12: {  	s1 =	sld [smem:$0x3F9E];
	s0 =	simm.s32 @p0 $0x1  }
0x13: {  	[smem:$0x3FB9] =	sst s0;
	s0 =	simm.s32 @!p1 $0x0  }
0x14: {  	s2 =	sld [smem:$0x3F9D];
	s0 =	simm.s32 @p1 $0x1  }
0x15: {  	[smem:$0x3FBA] =	sst s0;
	s0 =	simm.s32 @!p2 $0x0  }
0x16: {  	s3 =	sld [smem:$0x3FDB];
	s0 =	simm.s32 @p2 $0x1  }
0x17: {  	s4 =	simm.s32 $0x1BF5;
	[smem:$0x3FBC] =	sst s0  }
0x18: {  	s0 =	sld [smem:$0x3F9F];
	_ =	swait.ge [sflag:s4], $0x0  }
0x19: {  	s7 =	sld [smem:$0x3FA0]  }
0x1a: {  	s8 =	sadd.s32 $0xFFFFE003, lr  }
0x1b: {  	s9 =	sadd.s32 $0xFFFFFEF7, lr;
	s5 =	simm.s32 $0xFFFFFFFF;
	p2 =	slt.u32 s8, $0xFFFFF086  }
0x1c: {  	p1 =	slt.u32 s9, $0xF7A;
	s5 =	simm.s32 @!p2 $0x0  }
0x1d: {  	s5 =	simm.s32 @p1 $0x1;
	p0 =	seq.s32 s7, s2  }
0x1e: {  	s7 =	smul.u32 @!p0 $0xF7A, s2;
	p2 =	seq.s32 @!p0 s5, $0x0  }
0x1f: {  	s9 =	smul.u32 $0xF7A, s1;
	s8 =	simm.s32 @!p0 $0x1BF5;
	p2 =	por !p2, p0  }
0x20: {  	[sflag:s8] =	ssyncset.s32 @!p0 $0xFFFFF086;
	s6 =	sadd.s32 @!p0 s3, s7;
	s7 =	simm.s32 @!p0 $0x108  }
0x21: {  	s3 =	sadd.s32 s3, s9;
	s6 =	sadd.s32 @!p0 $0x88, s6;
	s7 =	simm.s32 @p2 $0x1082  }
0x22: {  	[simem:s7], [sflag:s8] =	dma.local @!p0 [hbm:s6], $0xF7A  }
0x23: {  	s9 =	sor.u32 $0xD0000000, s2;
	s6 =	simm.s32 $0x108;
	_ =	swait.ge @!p0 [sflag:s8], $0x0  }
0x24: {  	s3 =	sadd.s32 $0x88, s3;
	s6 =	simm.s32 @!p1 $0x1082;
	[sflag:s4] =	ssyncset.s32 $0xFFFFF086  }
0x25: {  	[simem:s6], [sflag:s4] =	dma.local [hbm:s3], $0xF7A  }
0x26: {  	[smem:$0x3FA0] =	sst s1;
	(tag) =	ssettag s2;
	_ =	strace s9  }
0x27: {  	s1 =	sld [smem:$0x3FB0]  }
0x28: {  	s2 =	sld [smem:$0x3FB1]  }
0x29: {  	s4 =	sld [smem:$0x3FB3]  }
0x2a: {  	p0 =	seq.s32 s5, $0x0;
	s5 =	sld [smem:$0x3FB4]  }
0x2b: {  	s6 =	sld [smem:$0x3FB5]  }
0x2c: {  	s7 =	sld [smem:$0x3FB6]  }
0x2d: {  	s3 =	simm.s32 $0x108;
	s8 =	sld [smem:$0x3FB7]  }
0x2e: {  	s3 =	simm.s32 @!p0 $0x1082;
	s9 =	sld [smem:$0x3FB8]  }
0x2f: {  	lr =	sadd.s32 s0, s3;
	s0 =	sld [smem:$0x3FAF]  }
0x30: {  	s3 =	sld [smem:$0x3FB2]  }
0x31: {  	[smem:$0x3FBB] =	sst s10  }
0x32: {  	s10 =	sld [smem:$0x3FB9];
	_ =	sdelay $0x3  }
0x33: {  	p0 =	seq.s32 s10, $0x1;
	s10 =	sld [smem:$0x3FBB];
	_ =	sdelay $0x3  }
0x34: {  	[smem:$0x3FBB] =	sst s10  }
0x35: {  	s10 =	sld [smem:$0x3FBA];
	_ =	sdelay $0x3  }
0x36: {  	p1 =	seq.s32 s10, $0x1;
	s10 =	sld [smem:$0x3FBB];
	_ =	sdelay $0x3  }
0x37: {  	[smem:$0x3FBB] =	sst s10  }
0x38: {  	s10 =	sld [smem:$0x3FBC]  }
0x39: {  	_ = 	snop;
	(pc) =	sbr.ind lr, $3  }
0x3a: {  	_ = 	snop  }
0x3b: {  	_ = 	snop  }
0x3c: {  	p2 =	seq.s32 s10, $0x1;
	s10 =	sld [smem:$0x3FBB]  }
0x3d: {  	_ =	shalt  }
0x3e: {  	_ =	shalt  }
0x3f: {  	_ =	shalt  }
0x40: {  	_ =	shalt  }
0x41: {  	_ =	shalt  }
0x42: {  	_ =	shalt  }
0x43: {  	_ =	shalt  }
0x44: {  	_ =	shalt  }
0x45: {  	_ =	shalt  }
0x46: {  	_ =	shalt  }
0x47: {  	_ =	shalt  }
0x48: {  	_ =	shalt  }
0x49: {  	_ =	shalt  }
0x4a: {  	_ =	shalt  }
0x4b: {  	_ =	shalt  }
0x4c: {  	_ =	shalt  }
0x4d: {  	_ =	shalt  }
0x4e: {  	_ =	shalt  }
0x4f: {  	_ =	shalt  }
0x50: {  	_ =	shalt  }
0x51: {  	_ =	shalt  }
0x52: {  	_ =	shalt  }
0x53: {  	_ =	shalt  }
0x54: {  	_ =	shalt  }
0x55: {  	_ =	shalt  }
0x56: {  	_ =	shalt  }
0x57: {  	_ =	shalt  }
0x58: {  	_ =	shalt  }
0x59: {  	_ =	shalt  }
0x5a: {  	_ =	shalt  }
0x5b: {  	_ =	shalt  }
0x5c: {  	_ =	shalt  }
0x5d: {  	_ =	shalt  }
0x5e: {  	_ =	shalt  }
0x5f: {  	_ =	shalt  }
0x60: {  	_ =	shalt  }
0x61: {  	_ =	shalt  }
0x62: {  	_ =	shalt  }
0x63: {  	_ =	shalt  }
0x64: {  	_ =	shalt  }
0x65: {  	_ =	shalt  }
0x66: {  	_ =	shalt  }
0x67: {  	_ =	shalt  }
0x68: {  	_ =	shalt  }
0x69: {  	_ =	shalt  }
0x6a: {  	_ =	shalt  }
0x6b: {  	_ =	shalt  }
0x6c: {  	_ =	shalt  }
0x6d: {  	_ =	shalt  }
0x6e: {  	_ =	shalt  }
0x6f: {  	_ =	shalt  }
0x70: {  	_ =	shalt  }
0x71: {  	_ =	shalt  }
0x72: {  	_ =	shalt  }
0x73: {  	_ =	shalt  }
0x74: {  	_ =	shalt  }
0x75: {  	_ =	shalt  }
0x76: {  	_ =	shalt  }
0x77: {  	_ =	shalt  }
0x78: {  	_ =	shalt  }
0x79: {  	_ =	shalt  }
0x7a: {  	_ =	shalt  }
0x7b: {  	_ =	shalt  }
0x7c: {  	_ =	shalt  }
0x7d: {  	_ =	shalt  }
0x7e: {  	_ =	shalt  }
0x7f: {  	_ =	shalt  }
0x80: {  	_ =	shalt  }
0x81: {  	_ =	shalt  }
0x82: {  	_ =	shalt  }
0x83: {  	_ =	shalt  }
0x84: {  	_ =	shalt  }
0x85: {  	_ =	shalt  }
0x86: {  	_ =	shalt  }
0x87: {  	_ =	shalt  }
.Lfunc_end0:
.L_simem_size_0:
called_computation_lowered:
.L_overlay_start_0:
0x88: {  	s2 =	sld [smem:$0x3FD9]  }
0x89: {  	s3 =	sld [smem:$0x3FFE];
	_ =	sdelay $0x1  }
0x8a: {  	s1 =	srdreg.scid  }
0x8b: {  	s0 =	sand.u32 $0x1, s1  }
0x8c: {  	s17 =	sshll.u32 s0, $0xA;
	s2 =	sadd.s32 s3, s2  }
0x8d: {  	s2 =	sadd.s32 s2, s17  }
0x8e: {  	[smem:$0x3FC7] =	sst s2  }
0x8f: {  	_ = 	snop  }
0x90: {  	s2 =	sld [smem:$0x3FD0];
	(tm) =	ssettm $0x1  }
0x91: {  	s18 =	sld [smem:$0x3FFB];
	_ =	sdelay $0x3  }
0x92: {  	_ =	strace s18  }
0x93: {  	s3 =	sld [smem:$0x3FFC];
	_ =	sdelay $0x3  }
0x94: {  	_ =	strace s3  }
0x95: {  	s3 =	sld [smem:$0x3FFD];
	_ =	sdelay $0x3  }
0x96: {  	_ =	strace s3  }
0x97: {  	_ =	strace $0x8FFFFFFF  }
0x98: {  	s19 =	sld [smem:$0x3FDB];
	_ =	sdelay $0x1  }
0x99: {  	s4 =	simm.s32 $_scs_section_size  }
0x9a: {  	s5 =	simm.s32 $_size__tile_overlayer_lowered;
	s6 =	simm.s32 $_tile_overlayer_lowered  }
0x9b: {  	s22 =	simm.s32 $0x1BFF;
	s21 =	sshll.u32 s6, $0x1;
	s3 =	sadd.s32 s4, s19  }
0x9c: {  	s7 =	simm.s32 $0x0;
	s20 =	sshll.u32 s5, $0x1;
	s5 =	sadd.s32 s21, s3  }
0x9d: {  	[timem:s7], [sflag:s22] =	dma.local [hbm:s5], s20  }
0x9e: {  	_ =	swait.ge [sflag:s22], s20  }
0x9f: {  	s4 =	ssub.s32 $0x0, s20;
	[sflag:s22] =	ssyncset.done $0x0  }
0xa0: {  	[sflag:s22] =	ssyncadd.s32 s4;
	_ =	sdelay $0x1  }
0xa1: {  	s23 =	simm.s32 $0x1B8B  }
0xa2: {  	_ =	swait.ge [sflag:s23], $0x1  }
0xa3: {  	[sflag:s23] =	ssyncset.done $0x0  }
0xa4: {  	s25 =	simm.s32 $0x1B8E;
	s24 =	sld [smem:$0x3FFE];
	[sflag:s23] =	ssyncadd.s32 $0xFFFFFFFF  }
0xa5: {  	s26 =	simm.s32 $execute0_lowered;
	[smem:$0x3FD2] =	sst s25  }
0xa6: {  	s5 =	sshll.u32 s26, $0x1;
	_ =	strace $0x80000046;
	[dreg:$0x1] =	wrdreg $0xFFFFFFFF  }
0xa7: {  	s28 =	simm.s32 $_size_execute0_lowered;
	s3 =	sadd.s32 s3, s5;
	[dreg:$0x0] =	wrdreg $0x0  }
0xa8: {  	s5 =	sshll.u32 s28, $0x1;
	[dreg:$0x2] =	wrdreg s3  }
0xa9: {  	[dreg:$0x3] =	wrdreg s5  }
0xaa: {  	[dreg:$0x4] =	wrdreg $0xC0  }
0xab: {  	_ =	task [dreg:s7], $0x5FFFF  }
0xac: {  	[dreg:$0x1] =	wrdreg $0xFFFFFFFF  }
0xad: {  	[dreg:$0x0] =	wrdreg $0x60  }
0xae: {  	[dreg:$0x2] =	wrdreg s24  }
0xaf: {  	[dreg:$0x3] =	wrdreg s2  }
0xb0: {  	[dreg:$0x4] =	wrdreg $0x9  }
0xb1: {  	_ =	task.clear_ibuf [dreg:s7], $0x5FFFF;
	_ =	strace $0x90000046  }
0xb2: {  	s29 =	simm.s32 $0x9;
	_ =	strace $0x80000048  }
0xb3: {  	_ =	swait.ge [sflag:s29], $0x1  }
0xb4: {  	[sflag:s29] =	ssyncadd.s32 $0xFFFFFFFF  }
0xb5: {  	_ =	strace $0x90000048  }
0xb6: {  	_ =	sfence  }
0xb7: {  	s30 =	sld [smem:$0x0];
	_ =	sdelay $0x2  }
0xb8: {  	s31 =	sshll.u32 s1, $0xD;
	s1 =	sshrl.u32 s1, $0x2  }
0xb9: {  	s3 =	sand.u32 $0x4000, s31;
	s1 =	sadd.s32 s1, s30  }
0xba: {  	s0 =	sor.u32 s3, s0;
	s1 =	sshll.u32 s1, $0x11  }
0xbb: {  	s0 =	sor.u32 s1, s0  }
0xbc: {  	s0 =	sadd.s32 $0x8F2B, s0  }
0xbd: {  	[sflag:s0] =	ssyncadd.remote.s32 $0x1  }
0xbe: {  	_ =	sfence.sel $0xFFFF  }
0xbf: {  	[dreg:$0x0] =	wrdreg $0xFFFFFFFF;
	(pc) =	sbr.abs _section_cstart, $3  }
0xc0: {  	[dreg:$0x1] =	wrdreg $0xFFFFFFFF  }
0xc1: {  	_ =	task.clear_ibuf [dreg:s7], $0x2FFFF;
	_ =	strace $0x9FFFFFFF  }
0xc2: {  	(tm) =	ssettm $0x7FFFFFFF  }
0xc3: {  	_ =	shalt  }
tec
execute0_lowered:
.L_overlay_start_1:
0x0: {  	(tag) =	ssettag $0x1  }
0x1: {  	s1 =	srdreg.scid;
	s0 =	stileid.u32  }
0x2: {  	s5 =	rddreg [dreg:$0x0];
	s3 =	sand.u32 $0x1, s1;
	s29 =	sshll.u32 s0, $0x1  }
0x3: {  	s6 =	rddreg [dreg:$0x1];
	s2 =	simm.s32 $0x0;
	s4 =	sor.u32 s3, s29  }
0x4: {  	s10 =	simm.s32 $0x6200;
	s11 =	simm.s32 $0x2;
	s1 =	sxor.u32 $0x1F, s4  }
0x5: {  	s12 =	simm.s32 $0x9400;
	s13 =	simm.s32 $0x3;
	s7 =	smul.u32 $0x1FFFFCF, s1  }
0x6: {  	s14 =	simm.s32 $0x0;
	[smem:$0x7FF] =	sst s2;
	s8 =	smul.u32 $0x31, s4  }
0x7: {  	s5 =	sadd.s32 $0x400, s5;
	p0 =	slt.u32 s4, $0x1B;
	s4 =	sadd.s32 $0x5EA, s7  }
0x8: {  	s3 =	ssub.s32 $0x2, s3;
	s1 =	rddreg [dreg:$0x2];
	s4 =	smov.u32 @p0 s8  }
0x9: {  	_ =	strace $0x80000047;
	s30 =	sshll.u32 s4, $0x9;
	s4 =	sshll.u32 s4, $0x6  }
0xa: {  	s31 =	sshrl.u32 s3, $0x1;
	s7 =	sadd.s32 $0x3200, s30;
	s9 =	sand.u32 $0x1FFFFFC0, s4  }
0xb: {  	s8 =	ssub.s32 s3, s31;
	s7 =	sshrl.u32 s7, $0x3;
	s3 =	sadd.s32 s5, s9  }
0xc: {  	s4 =	sadd.s32 s5, s7;
	s5 =	sadd.s32 s6, s9;
	s6 =	sadd.s32 s6, s7  }
0xd: {  	s7 =	smax.u32 s8, $0x1;
	s8 =	simm.s32 $0x3200;
	s9 =	simm.s32 $0x1  }
.LBB2_1:
0xe: {  	[tilespmem:s2], [sflag:$0x1] =	stream.linear.gather [hbm4b:s3+s2], $0x3200, $0x38;
	[tilespmem:$0xC400] =	vst v63  }
0xf: {  	p0 =	por $0x0, $0x0;
	s15 =	simm.s32 $0x1  }
0x10: {  	[tilespmem:s8], [sflag:$0x2] =	stream.linear.gather [hbm4b:s4+s2], $0x3000, $0x38;
	[tilespmem:$0xC400] =	vst v63  }
0x11: {  	s16 =	sand.u32 $0x40, s2;
	s15 =	simm.s32 @!p0 $0x0;
	_ =	swait.ge [sflag:s9], $0x3200  }
0x12: {  	s17 =	sand.u32 $0x3E00, s2;
	s15 =	sshll.u32 s15, $0x6;
	[sflag:s9] =	ssyncset.done $0x0  }
0x13: {  	s22 =	sor.u32 s16, s17;
	s15 =	sadd.s32 $0x0, s15;
	[sflag:s9] =	ssyncadd.s32 $0xFFFFCE00  }
0x14: {  	s25 =	sadd.s32 $0x30, s15;
	v0 =	vld [tilespmem:s22+$0x30]  }
0x15: {  	s25 =	sor.u32 $0x100, s25;
	v1 =	vld [tilespmem:s22+$0xB0]  }
0x16: {  	v2 =	vld [tilespmem:s25+$0x0]  }
0x17: {  	v3 =	vld [tilespmem:s22+$0x80]  }
0x18: {  	s26 =	sadd.s32 $0x10, s15;
	v4 =	vld [tilespmem:s22+$0x90]  }
0x19: {  	s24 =	sor.u32 $0x100, s26;
	v5 =	vld [tilespmem:s22+$0xA0]  }
0x1a: {  	v6 =	vld [tilespmem:s24+$0x0]  }
0x1b: {  	v9 =	vld [tilespmem:s22+$0x0]  }
0x1c: {  	p0 =	por !p0, !p0;
	s16 =	simm.s32 $0x1;
	s28 =	sadd.s32 $0x20, s15;
	v10 =	vld [tilespmem:s22+$0x10]  }
0x1d: {  	s16 =	simm.s32 @!p0 $0x0;
	s23 =	sor.u32 $0x100, s28;
	v11 =	vld [tilespmem:s22+$0x20]  }
0x1e: {  	s16 =	sshll.u32 s16, $0x6;
	s15 =	sor.u32 $0x100, s15;
	v7 =	vld [tilespmem:s23+$0x0]  }
0x1f: {  	s21 =	sadd.s32 $0x100, s16;
	v8 =	vld [tilespmem:s15+$0x0];
	v1 =	vadd.f32 $3.968000030e+01, v1;
	v2 =	vadd.f32 $3.000000000e+00, v2  }
0x20: {  	s29 =	sadd.s32 $0x30, s21;
	v0 =	vmul.f32 $6.250000000e+00, v0;
	v3 =	vadd.f32 $3.968000030e+01, v3;
	v4 =	vadd.f32 $3.968000030e+01, v4  }
0x21: {  	s26 =	sor.u32 $0x100, s29;
	v5 =	vadd.f32 $3.968000030e+01, v5;
	v9 =	vmul.f32 $6.250000000e+00, v9;
	v10 =	vmul.f32 $6.250000000e+00, v10  }
0x22: {  	v14 =	vld [tilespmem:s26+$0x0];
	v6 =	vadd.f32 $3.000000000e+00, v6;
	v11 =	vmul.f32 $6.250000000e+00, v11;
	v1 =	vmul.f32 $6.250000000e+00, v1  }
0x23: {  	v7 =	vadd.f32 $3.000000000e+00, v7;
	v0 =	vtrunc.f32 v0;
	v2 =	vmul.f32 $2.500000000e-01, v2  }
0x24: {  	v8 =	vadd.f32 $3.000000000e+00, v8;
	v3 =	vmul.f32 $6.250000000e+00, v3;
	v4 =	vmul.f32 $6.250000000e+00, v4  }
0x25: {  	v5 =	vmul.f32 $6.250000000e+00, v5;
	v6 =	vmul.f32 $2.500000000e-01, v6  }
0x26: {  	v7 =	vmul.f32 $2.500000000e-01, v7;
	v8 =	vmul.f32 $2.500000000e-01, v8  }
0x27: {  	s18 =	simm.s32 $0x40;
	s17 =	simm.s32 $0x100;
	v14 =	vadd.f32 $3.000000000e+00, v14;
	v9 =	vtrunc.f32 v9;
	v10 =	vtrunc.f32 v10  }
0x28: {  	s19 =	sand.u32 $0x40, s18;
	s20 =	sand.u32 $0x3E00, s17;
	v11 =	vtrunc.f32 v11;
	v0 =	vcvt.f32.s32 v0  }
0x29: {  	s16 =	sor.u32 s19, s20;
	v14 =	vmul.f32 $2.500000000e-01, v14;
	v1 =	vtrunc.f32 v1  }
0x2a: {  	v15 =	vld [tilespmem:s16+$0x80];
	v2 =	vtrunc.f32 v2;
	v3 =	vtrunc.f32 v3  }
0x2b: {  	s31 =	sadd.s32 $0x20, s21;
	v16 =	vld [tilespmem:s16+$0x90];
	v4 =	vtrunc.f32 v4;
	v5 =	vtrunc.f32 v5  }
0x2c: {  	v17 =	vld [tilespmem:s16+$0xA0];
	s20 =	sor.u32 $0x100, s31;
	v6 =	vtrunc.f32 v6;
	v8 =	vtrunc.f32 v8  }
0x2d: {  	v19 =	vld [tilespmem:s20+$0x0];
	v7 =	vtrunc.f32 v7;
	v1 =	vcvt.f32.s32 v1  }
0x2e: {  	v2 =	vcvt.f32.s32 v2;
	v12 =	vcvt.f32.s32 v3  }
0x2f: {  	v15 =	vadd.f32 $3.968000030e+01, v15;
	v3 =	vcvt.f32.s32 v4;
	v4 =	vcvt.f32.s32 v9  }
0x30: {  	v16 =	vadd.f32 $3.968000030e+01, v16;
	v5 =	vcvt.f32.s32 v5;
	v9 =	vcvt.f32.s32 v10  }
0x31: {  	v17 =	vadd.f32 $3.968000030e+01, v17;
	v10 =	vcvt.f32.s32 v11;
	v6 =	vcvt.f32.s32 v6  }
0x32: {  	v63 =	vadd.f32 $3.000000000e+00, v19;
	v13 =	vcvt.f32.s32 v8;
	v14 =	vtrunc.f32 v14  }
0x33: {  	vm0 =	vlt.u32 v0, $0x1B0;
	v7 =	vcvt.f32.s32 v7;
	v14 =	vcvt.f32.s32 v14  }
0x34: {  	vm1 =	vlt.u32 v1, $0x1F0;
	vm2 =	veq.s32 v2, $0x0;
	vm14 =	vlt.u32 v12, $0x1F0  }
0x35: {  	v8 =	vld [tilespmem:s16+$0xB0];
	vm15 =	vlt.u32 v3, $0x1F0;
	vm9 =	vlt.u32 v4, $0x1B0;
	vm3 =	vlt.u32 v5, $0x1F0  }
0x36: {  	vm4 =	vlt.u32 v9, $0x1B0;
	vm5 =	veq.s32 v13, $0x0;
	vm10 =	veq.s32 v6, $0x0  }
0x37: {  	v11 =	vld [tilespmem:s16+$0x30];
	vm6 =	vlt.u32 v10, $0x1B0;
	vm11 =	veq.s32 v7, $0x0;
	vm0 =	vmand vm0, vm1  }
0x38: {  	s30 =	sadd.s32 $0x10, s21;
	s21 =	sor.u32 $0x100, s21;
	vm1 =	vmand vm4, vm15;
	vm3 =	vmand vm6, vm3;
	vm15 =	veq.s32 v14, $0x0  }
0x39: {  	v20 =	vld [tilespmem:s21+$0x0];
	vm0 =	vmand vm0, vm2;
	vm2 =	vmand vm1, vm10;
	vm12 =	vmand vm3, vm11  }
0x3a: {  	s19 =	sor.u32 $0x100, s30;
	v62 =	vld [tilespmem:s16+$0x20];
	v0 =	vnsel vm0, $0xFFFFFFFF, v0;
	v1 =	vnsel vm0, $0xFFFFFFFF, v1;
	v8 =	vadd.f32 $3.968000030e+01, v8  }
0x3b: {  	v18 =	vld [tilespmem:s19+$0x0];
	v2 =	vnsel vm0, $0xFFFFFFFF, v2;
	vm0 =	vmand vm9, vm14;
	v9 =	vnsel vm2, $0xFFFFFFFF, v9;
	[tilespmem:s22+$0x6230] =	vst v0  }
0x3c: {  	v3 =	vnsel vm2, $0xFFFFFFFF, v3;
	v11 =	vmul.f32 $6.250000000e+00, v11;
	[tilespmem:s22+$0x62B0] =	vst v1;
	v8 =	vmul.f32 $6.250000000e+00, v8  }
0x3d: {  	v6 =	vnsel vm2, $0xFFFFFFFF, v6;
	v10 =	vnsel vm12, $0xFFFFFFFF, v10;
	[tilespmem:s22+$0x6290] =	vst v3;
	v3 =	vmul.f32 $6.250000000e+00, v16  }
0x3e: {  	vm0 =	vmand vm0, vm5;
	[tilespmem:s22+$0x6210] =	vst v9;
	v11 =	vtrunc.f32 v11;
	v8 =	vtrunc.f32 v8  }
0x3f: {  	v0 =	vld [tilespmem:s16+$0x0];
	v9 =	vadd.f32 $3.000000000e+00, v20;
	[tilespmem:s22+$0x6220] =	vst v10;
	v11 =	vcvt.f32.s32 v11;
	v8 =	vcvt.f32.s32 v8  }
0x40: {  	v1 =	vld [tilespmem:s16+$0x10];
	v10 =	vmul.f32 $6.250000000e+00, v62;
	v4 =	vnsel vm0, $0xFFFFFFFF, v4;
	[tilespmem:s25+$0x6200] =	vst v2;
	v2 =	vadd.f32 $3.000000000e+00, v18  }
0x41: {  	[tilespmem:s24+$0x6200] =	vst v6;
	v6 =	vmul.f32 $6.250000000e+00, v17;
	vm13 =	vlt.u32 v11, $0x1B0;
	vm14 =	vlt.u32 v8, $0x1F0  }
0x42: {  	v12 =	vnsel vm0, $0xFFFFFFFF, v12;
	[tilespmem:s22+$0x6200] =	vst v4;
	v4 =	vmul.f32 $6.250000000e+00, v15;
	vm2 =	vmand vm13, vm14  }
0x43: {  	v15 =	vmul.f32 $2.500000000e-01, v63;
	v2 =	vmul.f32 $2.500000000e-01, v2;
	vm2 =	vmand vm2, vm15  }
0x44: {  	[tilespmem:s22+$0x6280] =	vst v12;
	v4 =	vtrunc.f32 v4;
	v0 =	vmul.f32 $6.250000000e+00, v0;
	v11 =	vnsel vm2, $0xFFFFFFFF, v11  }
0x45: {  	v1 =	vmul.f32 $6.250000000e+00, v1;
	v8 =	vnsel vm2, $0xFFFFFFFF, v8;
	[tilespmem:s16+$0x6230] =	vst v11;
	v11 =	vmul.f32 $2.500000000e-01, v9  }
0x46: {  	v9 =	vnsel vm2, $0xFFFFFFFF, v14;
	[tilespmem:s16+$0x62B0] =	vst v8;
	v8 =	vtrunc.f32 v3;
	v3 =	vtrunc.f32 v6  }
0x47: {  	v6 =	vnsel vm12, $0xFFFFFFFF, v5;
	v5 =	vtrunc.f32 v1;
	v1 =	vtrunc.f32 v2;
	[tilespmem:s26+$0x6200] =	vst v9  }
0x48: {  	v2 =	vtrunc.f32 v15;
	v9 =	vtrunc.f32 v0;
	v0 =	vnsel vm12, $0xFFFFFFFF, v7;
	[tilespmem:s22+$0x62A0] =	vst v6  }
0x49: {  	p0 =	por !p0, !p0;
	v7 =	vtrunc.f32 v10;
	v10 =	vnsel vm0, $0xFFFFFFFF, v13;
	[tilespmem:s23+$0x6200] =	vst v0;
	s23 =	simm.s32 $0x4;
	v6 =	vtrunc.f32 v11  }
.LBB2_2:
0x4a: {  	s22 =	simm.s32 $0x1  }
0x4b: {  	v0 =	vcvt.f32.s32 v4;
	v4 =	vcvt.f32.s32 v8;
	s17 =	sadd.s32 $0x100, s17;
	s18 =	sadd.s32 $0x40, s18;
	[tilespmem:s15+$0x6200] =	vst v10;
	s22 =	simm.s32 @!p0 $0x0  }
0x4c: {  	v8 =	vcvt.f32.s32 v9;
	v9 =	vcvt.f32.s32 v3;
	s24 =	sand.u32 $0x3E00, s17;
	s15 =	sshll.u32 s22, $0x6;
	s22 =	sand.u32 $0x40, s18  }
0x4d: {  	s23 =	sadd.s32 $0x4, s23;
	v3 =	vcvt.f32.s32 v5;
	v5 =	vcvt.f32.s32 v7;
	vm0 =	vlt.u32 v0, $0x1F0;
	s26 =	sadd.s32 s15, s17;
	s22 =	sor.u32 s22, s24  }
0x4e: {  	v1 =	vcvt.f32.s32 v1;
	v2 =	vcvt.f32.s32 v2;
	p1 =	slt.u32 s23, $0xC4;
	vm1 =	vlt.u32 v4, $0x1F0;
	s15 =	sadd.s32 $0x10, s26;
	v7 =	vld [tilespmem:s22+$0x30];
	s24 =	sadd.s32 $0x30, s26  }
0x4f: {  	v11 =	vcvt.f32.s32 v6;
	vm2 =	vlt.u32 v8, $0x1B0;
	vm3 =	vlt.u32 v9, $0x1F0;
	s28 =	sor.u32 $0x100, s15;
	s15 =	sadd.s32 $0x20, s26;
	v10 =	vld [tilespmem:s22+$0xB0];
	s25 =	sor.u32 $0x100, s24  }
0x50: {  	vm4 =	vlt.u32 v3, $0x1B0;
	vm5 =	veq.s32 v1, $0x0;
	vm6 =	vlt.u32 v5, $0x1B0;
	s24 =	sor.u32 $0x100, s15;
	v6 =	vld [tilespmem:s25+$0x0];
	s15 =	smov.u32 s21;
	s21 =	sor.u32 $0x100, s26  }
0x51: {  	vm7 =	veq.s32 v11, $0x0;
	vm0 =	vmand vm2, vm0;
	vm2 =	veq.s32 v2, $0x0;
	v12 =	vld [tilespmem:s22+$0x80]  }
0x52: {  	vm1 =	vmand vm4, vm1;
	vm3 =	vmand vm6, vm3;
	vm0 =	vmand vm0, vm7;
	v13 =	vld [tilespmem:s22+$0x90]  }
0x53: {  	vm4 =	vmand vm1, vm5;
	vm1 =	vmand vm3, vm2;
	v8 =	vnsel vm0, $0xFFFFFFFF, v8;
	v14 =	vld [tilespmem:s22+$0xA0]  }
0x54: {  	v3 =	vnsel vm4, $0xFFFFFFFF, v3;
	v4 =	vnsel vm4, $0xFFFFFFFF, v4;
	v15 =	vld [tilespmem:s28+$0x0];
	v10 =	vadd.f32 $3.968000030e+01, v10;
	[tilespmem:s16+$0x6200] =	vst v8  }
0x55: {  	v1 =	vnsel vm4, $0xFFFFFFFF, v1;
	v7 =	vmul.f32 $6.250000000e+00, v7;
	v8 =	vld [tilespmem:s24+$0x0];
	v6 =	vadd.f32 $3.000000000e+00, v6;
	[tilespmem:s16+$0x6210] =	vst v3  }
0x56: {  	v3 =	vld [tilespmem:s21+$0x0];
	v12 =	vadd.f32 $3.968000030e+01, v12;
	v10 =	vmul.f32 $6.250000000e+00, v10;
	[tilespmem:s16+$0x6290] =	vst v4;
	v4 =	vnsel vm1, $0xFFFFFFFF, v5  }
0x57: {  	v7 =	vtrunc.f32 v7;
	v5 =	vld [tilespmem:s22+$0x0];
	v13 =	vadd.f32 $3.968000030e+01, v13;
	v6 =	vmul.f32 $2.500000000e-01, v6;
	[tilespmem:s19+$0x6200] =	vst v1;
	s19 =	smov.u32 s28  }
0x58: {  	v7 =	vcvt.f32.s32 v7;
	v1 =	vld [tilespmem:s22+$0x10];
	v14 =	vadd.f32 $3.968000030e+01, v14;
	v10 =	vtrunc.f32 v10;
	[tilespmem:s16+$0x6220] =	vst v4  }
0x59: {  	v4 =	vadd.f32 $3.000000000e+00, v15;
	v15 =	vld [tilespmem:s22+$0x20];
	v10 =	vcvt.f32.s32 v10;
	v6 =	vtrunc.f32 v6  }
0x5a: {  	v12 =	vmul.f32 $6.250000000e+00, v12;
	v8 =	vadd.f32 $3.000000000e+00, v8;
	v6 =	vcvt.f32.s32 v6  }
0x5b: {  	vm2 =	vlt.u32 v7, $0x1B0;
	v3 =	vadd.f32 $3.000000000e+00, v3;
	vm3 =	vlt.u32 v10, $0x1F0  }
0x5c: {  	v13 =	vmul.f32 $6.250000000e+00, v13;
	vm4 =	veq.s32 v6, $0x0;
	vm2 =	vmand vm2, vm3  }
0x5d: {  	v14 =	vmul.f32 $6.250000000e+00, v14;
	v5 =	vmul.f32 $6.250000000e+00, v5;
	vm2 =	vmand vm2, vm4  }
0x5e: {  	v1 =	vmul.f32 $6.250000000e+00, v1;
	v15 =	vmul.f32 $6.250000000e+00, v15;
	v7 =	vnsel vm2, $0xFFFFFFFF, v7  }
0x5f: {  	v16 =	vmul.f32 $2.500000000e-01, v4;
	v17 =	vmul.f32 $2.500000000e-01, v8;
	v8 =	vnsel vm2, $0xFFFFFFFF, v10;
	[tilespmem:s22+$0x6230] =	vst v7  }
.Ltmp0:
0x60: {  	v4 =	vtrunc.f32 v12;
	v10 =	vmul.f32 $2.500000000e-01, v3;
	v6 =	vnsel vm2, $0xFFFFFFFF, v6;
	[tilespmem:s22+$0x62B0] =	vst v8;
	(pc) =	sbr.rel @p1 .LBB2_2-.Ltmp0, $4  }
0x61: {  	v3 =	vtrunc.f32 v14;
	v8 =	vtrunc.f32 v13;
	[tilespmem:s25+$0x6200] =	vst v6;
	v6 =	vnsel vm1, $0xFFFFFFFF, v9  }
0x62: {  	v2 =	vnsel vm1, $0xFFFFFFFF, v2;
	v9 =	vtrunc.f32 v5;
	v5 =	vtrunc.f32 v1;
	[tilespmem:s16+$0x62A0] =	vst v6  }
0x63: {  	v0 =	vnsel vm0, $0xFFFFFFFF, v0;
	v7 =	vtrunc.f32 v15;
	v1 =	vtrunc.f32 v16;
	[tilespmem:s20+$0x6200] =	vst v2;
	s20 =	smov.u32 s24  }
0x64: {  	p0 =	por !p0, !p0;
	v6 =	vtrunc.f32 v10;
	v10 =	vnsel vm0, $0xFFFFFFFF, v11;
	v2 =	vtrunc.f32 v17;
	[tilespmem:s16+$0x6280] =	vst v0;
	s16 =	smov.u32 s22  }
0x65: {  	v0 =	vcvt.f32.s32 v4  }
0x66: {  	v4 =	vcvt.f32.s32 v8;
	v8 =	vcvt.f32.s32 v9  }
0x67: {  	v3 =	vcvt.f32.s32 v3;
	v5 =	vcvt.f32.s32 v5  }
0x68: {  	v6 =	vcvt.f32.s32 v6;
	v1 =	vcvt.f32.s32 v1  }
0x69: {  	vm0 =	vlt.u32 v0, $0x1F0;
	vm1 =	vlt.u32 v4, $0x1F0;
	vm2 =	vlt.u32 v8, $0x1B0  }
0x6a: {  	vm3 =	vlt.u32 v5, $0x1B0;
	vm4 =	veq.s32 v6, $0x0;
	vm0 =	vmand vm2, vm0  }
0x6b: {  	vm7 =	veq.s32 v1, $0x0;
	vm1 =	vmand vm3, vm1;
	vm0 =	vmand vm0, vm4  }
0x6c: {  	v7 =	vcvt.f32.s32 v7;
	[tilespmem:s15+$0x6200] =	vst v10;
	vm1 =	vmand vm1, vm7;
	v8 =	vnsel vm0, $0xFFFFFFFF, v8  }
0x6d: {  	v2 =	vcvt.f32.s32 v2;
	v5 =	vnsel vm1, $0xFFFFFFFF, v5;
	[tilespmem:s16+$0x6200] =	vst v8  }
0x6e: {  	vm8 =	vlt.u32 v3, $0x1F0;
	vm9 =	vlt.u32 v7, $0x1B0;
	v4 =	vnsel vm1, $0xFFFFFFFF, v4;
	[tilespmem:s16+$0x6210] =	vst v5  }
0x6f: {  	vm10 =	veq.s32 v2, $0x0;
	vm2 =	vmand vm9, vm8;
	v0 =	vnsel vm0, $0xFFFFFFFF, v0;
	[tilespmem:s16+$0x6290] =	vst v4  }
0x70: {  	vm2 =	vmand vm2, vm10;
	v1 =	vnsel vm1, $0xFFFFFFFF, v1;
	[tilespmem:s16+$0x6280] =	vst v0  }
0x71: {  	v4 =	vnsel vm2, $0xFFFFFFFF, v7;
	[tilespmem:s19+$0x6200] =	vst v1  }
0x72: {  	[tilespmem:s16+$0x6220] =	vst v4;
	v1 =	vnsel vm2, $0xFFFFFFFF, v3  }
0x73: {  	v2 =	vnsel vm2, $0xFFFFFFFF, v2;
	[tilespmem:s16+$0x62A0] =	vst v1  }
0x74: {  	s30 =	simm.s32 $0x0;
	p0 =	por $0x0, $0x0;
	v1 =	vnsel vm0, $0xFFFFFFFF, v6;
	[tilespmem:s20+$0x6200] =	vst v2  }
0x75: {  	s15 =	simm.s32 $0x1;
	s31 =	simm.s32 $0x3200;
	s17 =	simm.s32 $0xC80;
	[tilespmem:s21+$0x6200] =	vst v1  }
0x76: {  	[hbm4b:s5+s30] =	stream.linear.scatter [tilespmem:s10], [sflag:$0x3], $0x3200, $0x38;
	[tilespmem:$0xC400] =	vst v63  }
0x77: {  	s15 =	simm.s32 @!p0 $0x0;
	s17 =	sand.u32 $0x40, s17;
	_ =	swait.ge [sflag:s11], $0x3000  }
0x78: {  	s15 =	sshll.u32 s15, $0x6;
	s16 =	sand.u32 $0x7E00, s31;
	[sflag:s11] =	ssyncset.done $0x0  }
0x79: {  	s15 =	sadd.s32 $0x0, s15;
	s22 =	sor.u32 s17, s16;
	[sflag:s11] =	ssyncadd.s32 $0xFFFFD000  }
0x7a: {  	s17 =	sadd.s32 $0x3230, s15;
	v0 =	vld [tilespmem:s22+$0x30]  }
0x7b: {  	s25 =	sor.u32 $0x100, s17;
	v1 =	vld [tilespmem:s22+$0xB0]  }
0x7c: {  	v2 =	vld [tilespmem:s25+$0x0]  }
0x7d: {  	v3 =	vld [tilespmem:s22+$0x80]  }
0x7e: {  	s18 =	sadd.s32 $0x3200, s15;
	v4 =	vld [tilespmem:s22+$0x90]  }
0x7f: {  	s24 =	sor.u32 $0x100, s18;
	s19 =	sadd.s32 $0x3210, s15;
	s15 =	sadd.s32 $0x3220, s15;
	v5 =	vld [tilespmem:s22+$0xA0]  }
0x80: {  	p0 =	por !p0, !p0;
	s16 =	sor.u32 $0x100, s15;
	s15 =	simm.s32 $0x1;
	v6 =	vld [tilespmem:s24+$0x0]  }
0x81: {  	s18 =	simm.s32 $0xCC0;
	s17 =	simm.s32 $0x3300;
	s15 =	simm.s32 @!p0 $0x0;
	v9 =	vld [tilespmem:s22+$0x0]  }
0x82: {  	s20 =	sand.u32 $0x40, s18;
	s21 =	sand.u32 $0x7E00, s17;
	s15 =	sshll.u32 s15, $0x6;
	v10 =	vld [tilespmem:s22+$0x10]  }
0x83: {  	s28 =	sadd.s32 $0x100, s15;
	s15 =	sor.u32 s20, s21;
	v11 =	vld [tilespmem:s22+$0x20]  }
0x84: {  	s23 =	sor.u32 $0x100, s19;
	v60 =	vld [tilespmem:s15+$0x20]  }
0x85: {  	v7 =	vld [tilespmem:s23+$0x0]  }
0x86: {  	v8 =	vld [tilespmem:s16+$0x0];
	v1 =	vadd.f32 $3.968000030e+01, v1;
	v0 =	vmul.f32 $6.250000000e+00, v0;
	v2 =	vadd.f32 $3.000000000e+00, v2  }
0x87: {  	v3 =	vadd.f32 $3.968000030e+01, v3;
	v4 =	vadd.f32 $3.968000030e+01, v4;
	v9 =	vmul.f32 $6.250000000e+00, v9  }
0x88: {  	v13 =	vld [tilespmem:s15+$0xB0];
	v5 =	vadd.f32 $3.968000030e+01, v5;
	v10 =	vmul.f32 $6.250000000e+00, v10;
	v11 =	vmul.f32 $6.250000000e+00, v11  }
0x89: {  	v6 =	vadd.f32 $3.000000000e+00, v6;
	v62 =	vmul.f32 $6.250000000e+00, v60;
	v1 =	vmul.f32 $6.250000000e+00, v1  }
0x8a: {  	v7 =	vadd.f32 $3.000000000e+00, v7;
	v0 =	vtrunc.f32 v0;
	v2 =	vmul.f32 $2.500000000e-01, v2  }
0x8b: {  	v8 =	vadd.f32 $3.000000000e+00, v8;
	v3 =	vmul.f32 $6.250000000e+00, v3;
	v4 =	vmul.f32 $6.250000000e+00, v4  }
0x8c: {  	v5 =	vmul.f32 $6.250000000e+00, v5;
	v6 =	vmul.f32 $2.500000000e-01, v6  }
0x8d: {  	v13 =	vadd.f32 $3.968000030e+01, v13;
	v7 =	vmul.f32 $2.500000000e-01, v7;
	v8 =	vmul.f32 $2.500000000e-01, v8  }
0x8e: {  	v9 =	vtrunc.f32 v9;
	v10 =	vtrunc.f32 v10  }
0x8f: {  	v15 =	vld [tilespmem:s15+$0x80];
	v11 =	vtrunc.f32 v11;
	v13 =	vmul.f32 $6.250000000e+00, v13  }
0x90: {  	v16 =	vld [tilespmem:s15+$0x90];
	s30 =	sadd.s32 $0x3210, s28;
	v0 =	vcvt.f32.s32 v0;
	v9 =	vcvt.f32.s32 v9  }
0x91: {  	v17 =	vld [tilespmem:s15+$0xA0];
	s20 =	sor.u32 $0x100, s30;
	v1 =	vtrunc.f32 v1;
	v2 =	vtrunc.f32 v2  }
0x92: {  	v19 =	vld [tilespmem:s20+$0x0];
	v3 =	vtrunc.f32 v3;
	v4 =	vtrunc.f32 v4  }
0x93: {  	v5 =	vtrunc.f32 v5;
	v6 =	vtrunc.f32 v6  }
0x94: {  	v15 =	vadd.f32 $3.968000030e+01, v15;
	v7 =	vtrunc.f32 v7;
	v8 =	vtrunc.f32 v8  }
0x95: {  	v16 =	vadd.f32 $3.968000030e+01, v16;
	v13 =	vtrunc.f32 v13;
	v1 =	vcvt.f32.s32 v1  }
0x96: {  	v17 =	vadd.f32 $3.968000030e+01, v17;
	v2 =	vcvt.f32.s32 v2;
	v3 =	vcvt.f32.s32 v3  }
0x97: {  	v61 =	vadd.f32 $3.000000000e+00, v19;
	v4 =	vcvt.f32.s32 v4;
	v12 =	vcvt.f32.s32 v5  }
0x98: {  	vm11 =	vlt.u32 v0, $0x1B0;
	v5 =	vcvt.f32.s32 v10;
	v10 =	vcvt.f32.s32 v11  }
0x99: {  	s26 =	sadd.s32 $0x3230, s28;
	v6 =	vcvt.f32.s32 v6;
	v7 =	vcvt.f32.s32 v7;
	vm8 =	vlt.u32 v9, $0x1B0  }
0x9a: {  	s26 =	sor.u32 $0x100, s26;
	v14 =	vcvt.f32.s32 v8;
	v13 =	vcvt.f32.s32 v13;
	vm12 =	vlt.u32 v1, $0x1F0  }
0x9b: {  	v8 =	vld [tilespmem:s26+$0x0];
	vm13 =	veq.s32 v2, $0x0;
	vm14 =	vlt.u32 v3, $0x1F0;
	vm15 =	vlt.u32 v4, $0x1F0  }
0x9c: {  	v11 =	vld [tilespmem:s15+$0x30];
	vm9 =	vlt.u32 v12, $0x1F0;
	vm10 =	veq.s32 v6, $0x0;
	vm5 =	vlt.u32 v5, $0x1B0  }
0x9d: {  	vm6 =	veq.s32 v7, $0x0;
	vm0 =	vmand vm11, vm12;
	vm11 =	vlt.u32 v10, $0x1B0  }
0x9e: {  	vm12 =	veq.s32 v14, $0x0;
	vm1 =	vmand vm5, vm15;
	vm0 =	vmand vm0, vm13  }
0x9f: {  	s29 =	sadd.s32 $0x3200, s28;
	vm2 =	vmand vm11, vm9;
	vm1 =	vmand vm1, vm6;
	v0 =	vnsel vm0, $0xFFFFFFFF, v0  }
0xa0: {  	s31 =	sadd.s32 $0x3220, s28;
	s21 =	sor.u32 $0x100, s29;
	v1 =	vnsel vm0, $0xFFFFFFFF, v1;
	v2 =	vnsel vm0, $0xFFFFFFFF, v2;
	v8 =	vadd.f32 $3.000000000e+00, v8  }
0xa1: {  	s19 =	sor.u32 $0x100, s31;
	v18 =	vld [tilespmem:s21+$0x0];
	vm0 =	vmand vm8, vm14;
	v11 =	vmul.f32 $6.250000000e+00, v11;
	v5 =	vnsel vm1, $0xFFFFFFFF, v5  }
0xa2: {  	v20 =	vld [tilespmem:s19+$0x0];
	v4 =	vnsel vm1, $0xFFFFFFFF, v4;
	vm14 =	vlt.u32 v13, $0x1F0;
	[tilespmem:s22+$0x6230] =	vst v0;
	v8 =	vmul.f32 $2.500000000e-01, v8  }
0xa3: {  	vm4 =	vmand vm0, vm10;
	[tilespmem:s22+$0x6210] =	vst v5;
	v5 =	vmul.f32 $6.250000000e+00, v17;
	v11 =	vtrunc.f32 v11  }
0xa4: {  	vm0 =	vmand vm2, vm12;
	[tilespmem:s22+$0x62B0] =	vst v1;
	v11 =	vcvt.f32.s32 v11;
	v8 =	vtrunc.f32 v8  }
0xa5: {  	v0 =	vld [tilespmem:s15+$0x0];
	[tilespmem:s22+$0x6290] =	vst v4;
	v9 =	vnsel vm4, $0xFFFFFFFF, v9;
	v3 =	vnsel vm4, $0xFFFFFFFF, v3;
	v8 =	vcvt.f32.s32 v8  }
0xa6: {  	v1 =	vld [tilespmem:s15+$0x10];
	v6 =	vnsel vm4, $0xFFFFFFFF, v6;
	[tilespmem:s25+$0x6200] =	vst v2;
	v2 =	vadd.f32 $3.000000000e+00, v18;
	vm13 =	vlt.u32 v11, $0x1B0  }
0xa7: {  	[tilespmem:s22+$0x6280] =	vst v3;
	v3 =	vadd.f32 $3.000000000e+00, v20;
	vm2 =	vmand vm13, vm14;
	vm15 =	veq.s32 v8, $0x0  }
0xa8: {  	[tilespmem:s22+$0x6200] =	vst v9;
	v9 =	vmul.f32 $6.250000000e+00, v15;
	v15 =	vmul.f32 $2.500000000e-01, v61;
	vm2 =	vmand vm2, vm15  }
0xa9: {  	[tilespmem:s24+$0x6200] =	vst v6;
	v6 =	vmul.f32 $6.250000000e+00, v16;
	v63 =	vmul.f32 $2.500000000e-01, v3;
	v4 =	vnsel vm2, $0xFFFFFFFF, v11  }
0xaa: {  	v0 =	vmul.f32 $6.250000000e+00, v0;
	v11 =	vmul.f32 $2.500000000e-01, v2;
	v2 =	vnsel vm2, $0xFFFFFFFF, v13;
	[tilespmem:s15+$0x6230] =	vst v4  }
0xab: {  	v1 =	vmul.f32 $6.250000000e+00, v1;
	v3 =	vnsel vm2, $0xFFFFFFFF, v8;
	v8 =	vtrunc.f32 v6;
	[tilespmem:s15+$0x62B0] =	vst v2  }
0xac: {  	v6 =	vtrunc.f32 v62;
	v2 =	vtrunc.f32 v5;
	v5 =	vnsel vm1, $0xFFFFFFFF, v7;
	[tilespmem:s26+$0x6200] =	vst v3  }
0xad: {  	v4 =	vtrunc.f32 v9;
	v9 =	vtrunc.f32 v0;
	v0 =	vnsel vm0, $0xFFFFFFFF, v10;
	[tilespmem:s23+$0x6200] =	vst v5  }
0xae: {  	v10 =	vnsel vm0, $0xFFFFFFFF, v12;
	v7 =	vtrunc.f32 v15;
	v3 =	vtrunc.f32 v1;
	[tilespmem:s22+$0x6220] =	vst v0  }
0xaf: {  	p0 =	por !p0, !p0;
	s24 =	simm.s32 $0x200;
	v5 =	vtrunc.f32 v11;
	s23 =	simm.s32 $0xCC;
	v1 =	vtrunc.f32 v63;
	v0 =	vnsel vm0, $0xFFFFFFFF, v14;
	[tilespmem:s22+$0x62A0] =	vst v10  }
.LBB2_4:
0xb0: {  	s22 =	simm.s32 $0x1  }
0xb1: {  	v4 =	vcvt.f32.s32 v4;
	v8 =	vcvt.f32.s32 v8;
	s17 =	sadd.s32 $0x100, s17;
	s18 =	sadd.s32 $0x40, s18;
	[tilespmem:s16+$0x6200] =	vst v0;
	s22 =	simm.s32 @!p0 $0x0  }
0xb2: {  	v9 =	vcvt.f32.s32 v9;
	v0 =	vcvt.f32.s32 v2;
	s25 =	sand.u32 $0x7E00, s17;
	s16 =	sshll.u32 s22, $0x6;
	s22 =	sand.u32 $0x40, s18  }
0xb3: {  	s23 =	sadd.s32 $0x4, s23;
	v2 =	vcvt.f32.s32 v3;
	v6 =	vcvt.f32.s32 v6;
	vm0 =	vlt.u32 v4, $0x1F0;
	s16 =	sadd.s32 s16, s24;
	s22 =	sor.u32 s22, s25  }
0xb4: {  	v5 =	vcvt.f32.s32 v5;
	v7 =	vcvt.f32.s32 v7;
	p1 =	slt.u32 s23, $0x184;
	vm1 =	vlt.u32 v8, $0x1F0;
	s25 =	sadd.s32 $0x3200, s16;
	v3 =	vld [tilespmem:s22+$0x30];
	s26 =	sadd.s32 $0x3230, s16  }
0xb5: {  	v11 =	vcvt.f32.s32 v1;
	vm2 =	vlt.u32 v9, $0x1B0;
	vm3 =	vlt.u32 v0, $0x1F0;
	s28 =	sadd.s32 $0x3210, s16;
	s16 =	sadd.s32 $0x3220, s16;
	v10 =	vld [tilespmem:s22+$0xB0];
	s26 =	sor.u32 $0x100, s26  }
0xb6: {  	vm4 =	veq.s32 v5, $0x0;
	vm5 =	vlt.u32 v2, $0x1B0;
	vm6 =	vlt.u32 v6, $0x1B0;
	s29 =	sor.u32 $0x100, s25;
	s25 =	sor.u32 $0x100, s28;
	s28 =	sor.u32 $0x100, s16;
	v1 =	vld [tilespmem:s26+$0x0]  }
0xb7: {  	vm7 =	veq.s32 v11, $0x0;
	vm0 =	vmand vm2, vm0;
	vm2 =	veq.s32 v7, $0x0;
	s16 =	smov.u32 s19;
	s19 =	smov.u32 s28;
	v12 =	vld [tilespmem:s22+$0x80]  }
0xb8: {  	vm3 =	vmand vm6, vm3;
	vm4 =	vmand vm0, vm4;
	vm0 =	vmand vm5, vm1;
	v13 =	vld [tilespmem:s22+$0x90]  }
0xb9: {  	v9 =	vnsel vm4, $0xFFFFFFFF, v9;
	vm1 =	vmand vm0, vm2;
	vm0 =	vmand vm3, vm7;
	v14 =	vld [tilespmem:s22+$0xA0]  }
0xba: {  	v4 =	vnsel vm4, $0xFFFFFFFF, v4;
	v5 =	vnsel vm4, $0xFFFFFFFF, v5;
	v15 =	vld [tilespmem:s29+$0x0];
	v10 =	vadd.f32 $3.968000030e+01, v10;
	[tilespmem:s15+$0x6200] =	vst v9  }
0xbb: {  	v2 =	vnsel vm1, $0xFFFFFFFF, v2;
	v3 =	vmul.f32 $6.250000000e+00, v3;
	v9 =	vld [tilespmem:s25+$0x0];
	v1 =	vadd.f32 $3.000000000e+00, v1;
	[tilespmem:s15+$0x6280] =	vst v4  }
0xbc: {  	v4 =	vadd.f32 $3.968000030e+01, v12;
	v12 =	vld [tilespmem:s19+$0x0];
	v10 =	vmul.f32 $6.250000000e+00, v10;
	[tilespmem:s21+$0x6200] =	vst v5;
	v5 =	vnsel vm1, $0xFFFFFFFF, v8;
	s21 =	smov.u32 s29  }
0xbd: {  	v3 =	vtrunc.f32 v3;
	v8 =	vld [tilespmem:s22+$0x0];
	v13 =	vadd.f32 $3.968000030e+01, v13;
	v1 =	vmul.f32 $2.500000000e-01, v1;
	[tilespmem:s15+$0x6210] =	vst v2  }
0xbe: {  	v3 =	vcvt.f32.s32 v3;
	v2 =	vld [tilespmem:s22+$0x10];
	v14 =	vadd.f32 $3.968000030e+01, v14;
	v10 =	vtrunc.f32 v10;
	[tilespmem:s15+$0x6290] =	vst v5  }
0xbf: {  	v5 =	vadd.f32 $3.000000000e+00, v15;
	v15 =	vld [tilespmem:s22+$0x20];
	v10 =	vcvt.f32.s32 v10;
	v1 =	vtrunc.f32 v1  }
0xc0: {  	v4 =	vmul.f32 $6.250000000e+00, v4;
	v9 =	vadd.f32 $3.000000000e+00, v9;
	v1 =	vcvt.f32.s32 v1  }
0xc1: {  	vm2 =	vlt.u32 v3, $0x1B0;
	v12 =	vadd.f32 $3.000000000e+00, v12;
	vm3 =	vlt.u32 v10, $0x1F0  }
0xc2: {  	v13 =	vmul.f32 $6.250000000e+00, v13;
	vm4 =	veq.s32 v1, $0x0;
	vm2 =	vmand vm2, vm3  }
0xc3: {  	v14 =	vmul.f32 $6.250000000e+00, v14;
	v16 =	vmul.f32 $6.250000000e+00, v8;
	vm2 =	vmand vm2, vm4  }
0xc4: {  	v17 =	vmul.f32 $6.250000000e+00, v2;
	v15 =	vmul.f32 $6.250000000e+00, v15;
	v2 =	vnsel vm2, $0xFFFFFFFF, v3  }
0xc5: {  	v5 =	vmul.f32 $2.500000000e-01, v5;
	v18 =	vmul.f32 $2.500000000e-01, v9;
	v3 =	vnsel vm2, $0xFFFFFFFF, v10;
	[tilespmem:s22+$0x6230] =	vst v2  }
.Ltmp1:
0xc6: {  	v4 =	vtrunc.f32 v4;
	v10 =	vmul.f32 $2.500000000e-01, v12;
	v1 =	vnsel vm2, $0xFFFFFFFF, v1;
	[tilespmem:s22+$0x62B0] =	vst v3;
	(pc) =	sbr.rel @p1 .LBB2_4-.Ltmp1, $4  }
0xc7: {  	v8 =	vtrunc.f32 v13;
	v2 =	vtrunc.f32 v14;
	[tilespmem:s26+$0x6200] =	vst v1;
	v1 =	vnsel vm1, $0xFFFFFFFF, v7  }
0xc8: {  	v9 =	vtrunc.f32 v16;
	v3 =	vtrunc.f32 v17;
	[tilespmem:s20+$0x6200] =	vst v1;
	v1 =	vnsel vm0, $0xFFFFFFFF, v6;
	s20 =	smov.u32 s25  }
0xc9: {  	v5 =	vtrunc.f32 v5;
	v12 =	vnsel vm0, $0xFFFFFFFF, v0;
	v6 =	vtrunc.f32 v15;
	[tilespmem:s15+$0x6220] =	vst v1  }
0xca: {  	p0 =	por !p0, !p0;
	s24 =	sadd.s32 $0x100, s24;
	v0 =	vnsel vm0, $0xFFFFFFFF, v11;
	v7 =	vtrunc.f32 v18;
	v1 =	vtrunc.f32 v10;
	[tilespmem:s15+$0x62A0] =	vst v12;
	s15 =	smov.u32 s22  }
0xcb: {  	v4 =	vcvt.f32.s32 v4  }
0xcc: {  	v9 =	vcvt.f32.s32 v9;
	v8 =	vcvt.f32.s32 v8  }
0xcd: {  	v5 =	vcvt.f32.s32 v5;
	v2 =	vcvt.f32.s32 v2  }
0xce: {  	v3 =	vcvt.f32.s32 v3;
	vm0 =	vlt.u32 v4, $0x1F0;
	vm1 =	vlt.u32 v9, $0x1B0  }
0xcf: {  	v7 =	vcvt.f32.s32 v7;
	vm2 =	veq.s32 v5, $0x0;
	vm0 =	vmand vm1, vm0  }
0xd0: {  	vm11 =	vlt.u32 v8, $0x1F0;
	vm12 =	vlt.u32 v3, $0x1B0;
	vm0 =	vmand vm0, vm2  }
0xd1: {  	[tilespmem:s16+$0x6200] =	vst v0;
	vm3 =	veq.s32 v7, $0x0;
	vm1 =	vmand vm12, vm11;
	v58 =	vnsel vm0, $0xFFFFFFFF, v9  }
0xd2: {  	v6 =	vcvt.f32.s32 v6;
	vm1 =	vmand vm1, vm3;
	v4 =	vnsel vm0, $0xFFFFFFFF, v4;
	[tilespmem:s15+$0x6200] =	vst v58  }
0xd3: {  	v59 =	vcvt.f32.s32 v1;
	v3 =	vnsel vm1, $0xFFFFFFFF, v3;
	[tilespmem:s15+$0x6280] =	vst v4  }
0xd4: {  	vm13 =	vlt.u32 v2, $0x1F0;
	vm14 =	vlt.u32 v6, $0x1B0;
	v61 =	vnsel vm1, $0xFFFFFFFF, v8;
	[tilespmem:s15+$0x6210] =	vst v3  }
0xd5: {  	vm15 =	veq.s32 v59, $0x0;
	v60 =	vnsel vm0, $0xFFFFFFFF, v5;
	vm0 =	vmand vm14, vm13;
	[tilespmem:s15+$0x6290] =	vst v61  }
0xd6: {  	v62 =	vnsel vm1, $0xFFFFFFFF, v7;
	vm0 =	vmand vm0, vm15;
	[tilespmem:s21+$0x6200] =	vst v60  }
0xd7: {  	[tilespmem:s20+$0x6200] =	vst v62;
	v63 =	vnsel vm0, $0xFFFFFFFF, v6  }
0xd8: {  	v2 =	vnsel vm0, $0xFFFFFFFF, v2;
	[tilespmem:s15+$0x6220] =	vst v63  }
0xd9: {  	v0 =	vnsel vm0, $0xFFFFFFFF, v59;
	[tilespmem:s15+$0x62A0] =	vst v2  }
0xda: {  	s14 =	sadd.s32 $0x1, s14;
	[tilespmem:s19+$0x6200] =	vst v0  }
0xdb: {  	[hbm4b:s6+s2] =	stream.linear.scatter [tilespmem:s12], [sflag:$0x3], $0x3000, $0x38;
	[tilespmem:$0xC400] =	vst v63  }
0xdc: {  	p0 =	sne.s32 s14, s7;
	_ =	swait.ge [sflag:s13], $0x3200  }
.Ltmp2:
0xdd: {  	[sflag:s13] =	ssyncset.done $0x0;
	(pc) =	sbr.rel @p0 .LBB2_1-.Ltmp2, $4  }
0xde: {  	[sflag:s13] =	ssyncadd.s32 $0xFFFFCE00  }
0xdf: {  	_ =	swait.ge [sflag:s13], $0x3000  }
0xe0: {  	[sflag:s13] =	ssyncset.done $0x0  }
0xe1: {  	[sflag:s13] =	ssyncadd.s32 $0xFFFFD000  }
0xe2: {  	_ =	sfence.sel $0x180000  }
0xe3: {  	[bflag:$0x0] =	sbarrier.arrive $0xFFFF  }
0xe4: {  	p0 =	sne.s32 s0, $0x0;
	_ =	strace $0x90000047  }
0xe5: {  	s0 =	sadd.s32 @!p0 $0x100000, s1;
	[bflag:$0x2] =	sbarrier.arrive $0xFFFF  }
0xe6: {  	[sflag:s0] =	ssyncadd.tile.s32 @!p0 $0x1;
	_ =	shalt  }
.Lfunc_end2:
_tile_overlayer_lowered:
.L_overlay_start_2:
0xe7: {  	(tag) =	ssettag $0x2  }
0xe8: {  	s0 =	rddreg [dreg:$0x0];
	s2 =	stileid.u32  }
0xe9: {  	s1 =	rddreg [dreg:$0x1];
	p0 =	sne.s32 s2, $0x0  }
0xea: {  	s3 =	rddreg [dreg:$0x2];
	[bflag:$0x3] =	sbarrier.arrive $0xFFFF;
	s2 =	simm.s32 @!p0 $0x1C04  }
0xeb: {  	[timem:s3], [sflag:s2] =	dma.local @!p0 [hbm:s0], s1  }
0xec: {  	s0 =	simm.s32 @!p0 $0x4  }
0xed: {  	_ =	swait.ge @!p0 [sflag:s0], s1  }
0xee: {  	s1 =	ssub.s32 @!p0 $0x0, s1;
	[sflag:s0] =	ssyncset.done @!p0 $0x0  }
0xef: {  	[sflag:s0] =	ssyncadd.s32 @!p0 s1  }
0xf0: {  	[bflag:$0x3] =	sbarrier.arrive $0xFFFF  }
0xf1: {  	_ =	shalt  }

</sc_bundles>
